<compile_context>
chip_gen: v7x
topology: tpu7x:2x2x1
jax: 0.10.2.dev20260603
libtpu: 0.0.44.dev20260713+nightly
codegen_flags: <defaults>
</compile_context>

<pallas_src>
import functools

import jax
import jax.numpy as jnp
from jax import lax
from jax.experimental import pallas as pl
from jax.experimental.pallas import tpu as pltpu
from jax.experimental.pallas import tpu_sc as plsc

B, F, D = 128, 16, 1000
L = 16
NC, NS = 2, 16
NW = NC * NS
TP = 32

_mesh = plsc.VectorSubcoreMesh(core_axis_name="c", subcore_axis_name="s")


@functools.partial(
    pl.kernel,
    mesh=_mesh,
    out_type=jax.ShapeDtypeStruct((D, B), jnp.float32),
    scratch_types=[
        pltpu.VMEM((F, TP, B), jnp.float32),
        pltpu.VMEM((TP, B), jnp.float32),
        pltpu.SemaphoreType.DMA,
    ],
)
def _mean_sc(x_hbm, out_hbm, x_v, o_v, sem):
    wid = lax.axis_index("s") * NC + lax.axis_index("c")
    tile = jnp.minimum(wid * (TP // 8), D // 8 - TP // 8)
    start = pl.multiple_of(tile * 8, 8)
    copies = [
        pltpu.async_copy(x_hbm.at[f, pl.ds(start, TP), :], x_v.at[f], sem)
        for f in range(F)
    ]
    for cp in copies:
        cp.wait()

    def row(r, carry):
        for c in range(B // L):
            sl = pl.ds(c * L, L)
            acc0 = x_v[0, r, sl] + x_v[1, r, sl]
            acc1 = x_v[2, r, sl] + x_v[3, r, sl]
            acc2 = x_v[4, r, sl] + x_v[5, r, sl]
            acc3 = x_v[6, r, sl] + x_v[7, r, sl]
            for f in range(8, F):
                acc0 = acc0 + x_v[f, r, sl]
            o_v[r, sl] = ((acc0 + acc1) + (acc2 + acc3)) * (1.0 / F)
        return carry

    lax.fori_loop(0, TP, row, 0)
    pltpu.sync_copy(o_v, out_hbm.at[pl.ds(start, TP), :])


def kernel(input):
    x_t = jnp.transpose(input, (1, 2, 0))
    out_t = _mean_sc(x_t)
    return jnp.transpose(out_t)[:, None, :]

# --- scband reference (transcript-rebuilt; emitter-appended) ---
"""Pipeline reference for scband-consensus-module-57913339019631 (READ-ONLY COPY).

The authoritative reference and input builder live on the scoring server;
editing this copy changes nothing except your own understanding.
"""

import jax, jax.numpy as jnp
import numpy as np


def setup_inputs(seed: int = 0) -> dict:
    key = jax.random.key(seed)
    x = jax.random.normal(key, (128, 16, 1000), dtype=jnp.float32)
    return {"input": x}


def reference(input):
    # ConsensusModule with consensus_type='avg', dim=1:
    # SegmentConsensus.forward -> input.mean(dim=1, keepdim=True)
    return jnp.mean(input, axis=1, keepdims=True)

if __name__ == "__main__":
    import jax
    _d = setup_inputs()
    print(jax.jit(kernel)(*tuple(_d.values())))

</pallas_src>

<mosaic_0001>
#map = affine_map<(d0, d1) -> (0, 0, 0)>
#map1 = affine_map<(d0, d1) -> (0, 0)>
module attributes {stable_mosaic.version = 14 : i64} {
  func.func @_mean_sc(%arg0: i32, %arg1: i32, %arg2: memref<16x1000x128xf32, #tpu.memory_space<hbm>>, %arg3: memref<1000x128xf32, #tpu.memory_space<hbm>>, %arg4: memref<16x32x128xf32, #tpu.memory_space<vmem>>, %arg5: memref<32x128xf32, #tpu.memory_space<vmem>>, %arg6: memref<!tpu.dma_semaphore, #tpu.memory_space<semaphore_mem>>) attributes {dimension_semantics = [#tpu.dimension_semantics<core_parallel>, #tpu.dimension_semantics<subcore_parallel>], iteration_bounds = array<i64: 2, 16>, scalar_prefetch = 0 : i64, scratch_operands = 3 : i64, tpu.core_type = #tpu.core_type<sc_vector_subcore>, window_params = [{transform_indices = #map}, {transform_indices = #map1}]} {
    %mul3A = arith.constant 2 : i32
    %mul3A_0 = arith.muli %arg1, %mul3A : i32
    %add3A = arith.addi %mul3A_0, %arg0 : i32
    %mul3A_1 = arith.constant 4 : i32
    %mul3A_2 = arith.muli %add3A, %mul3A_1 : i32
    %min3A = arith.constant 121 : i32
    %min3A_3 = arith.minsi %mul3A_2, %min3A : i32
    %mul3A_4 = arith.constant 8 : i32
    %mul3A_5 = arith.muli %min3A_3, %mul3A_4 : i32
    %multiple_of3A = tpu.assume_multiple %mul3A_5, 8 : i32
    %dma_start3A = arith.constant 0 : i32
    %dma_start3A_6 = arith.constant 0 : i32
    %dma_start3A_7 = arith.constant 0 : i32
    %dma_start3A_8 = arith.constant 0 : i32
    %dma_start3A_9 = tpu.memref_slice %arg4[%dma_start3A_6, %dma_start3A_7, %dma_start3A_8] : memref<16x32x128xf32, #tpu.memory_space<vmem>> -> memref<1x32x128xf32, #tpu.memory_space<vmem>>
    %dma_start3A_10 = tpu.memref_squeeze %dma_start3A_9 : memref<1x32x128xf32, #tpu.memory_space<vmem>> -> memref<32x128xf32, #tpu.memory_space<vmem>>
    %dma_start3A_11 = arith.constant 0 : i32
    %dma_start3A_12 = tpu.memref_slice %arg2[%dma_start3A, %multiple_of3A, %dma_start3A_11] : memref<16x1000x128xf32, #tpu.memory_space<hbm>> -> memref<1x32x128xf32, #tpu.memory_space<hbm>>
    %dma_start3A_13 = tpu.memref_squeeze %dma_start3A_12 : memref<1x32x128xf32, #tpu.memory_space<hbm>> -> memref<32x128xf32, #tpu.memory_space<hbm>>
    %dma_start3A_14 = arith.constant 0 : i32
    %dma_start3A_15 = arith.constant 0 : i32
    %dma_start3A_16 = tpu.memref_slice %arg4[%dma_start3A_6, %dma_start3A_14, %dma_start3A_15] : memref<16x32x128xf32, #tpu.memory_space<vmem>> -> memref<1x32x128xf32, #tpu.memory_space<vmem>>
    %dma_start3A_17 = tpu.memref_squeeze %dma_start3A_16 : memref<1x32x128xf32, #tpu.memory_space<vmem>> -> memref<32x128xf32, #tpu.memory_space<vmem>>
    %dma_start3A_18 = arith.constant 0 : i32
    %dma_start3A_19 = tpu.memref_slice %arg2[%dma_start3A, %multiple_of3A, %dma_start3A_18] : memref<16x1000x128xf32, #tpu.memory_space<hbm>> -> memref<1x32x128xf32, #tpu.memory_space<hbm>>
    %dma_start3A_20 = tpu.memref_squeeze %dma_start3A_19 : memref<1x32x128xf32, #tpu.memory_space<hbm>> -> memref<32x128xf32, #tpu.memory_space<hbm>>
    tpu.enqueue_dma source(%dma_start3A_20 : memref<32x128xf32, #tpu.memory_space<hbm>>) target(%dma_start3A_17 : memref<32x128xf32, #tpu.memory_space<vmem>>) target_semaphore(%arg6 : memref<!tpu.dma_semaphore, #tpu.memory_space<semaphore_mem>>)
    %dma_start3A_21 = arith.constant 1 : i32
    %dma_start3A_22 = arith.constant 1 : i32
    %dma_start3A_23 = arith.constant 0 : i32
    %dma_start3A_24 = arith.constant 0 : i32
    %dma_start3A_25 = tpu.memref_slice %arg4[%dma_start3A_22, %dma_start3A_23, %dma_start3A_24] : memref<16x32x128xf32, #tpu.memory_space<vmem>> -> memref<1x32x128xf32, #tpu.memory_space<vmem>>
    %dma_start3A_26 = tpu.memref_squeeze %dma_start3A_25 : memref<1x32x128xf32, #tpu.memory_space<vmem>> -> memref<32x128xf32, #tpu.memory_space<vmem>>
    %dma_start3A_27 = arith.constant 0 : i32
    %dma_start3A_28 = tpu.memref_slice %arg2[%dma_start3A_21, %multiple_of3A, %dma_start3A_27] : memref<16x1000x128xf32, #tpu.memory_space<hbm>> -> memref<1x32x128xf32, #tpu.memory_space<hbm>>
    %dma_start3A_29 = tpu.memref_squeeze %dma_start3A_28 : memref<1x32x128xf32, #tpu.memory_space<hbm>> -> memref<32x128xf32, #tpu.memory_space<hbm>>
    %dma_start3A_30 = arith.constant 0 : i32
    %dma_start3A_31 = arith.constant 0 : i32
    %dma_start3A_32 = tpu.memref_slice %arg4[%dma_start3A_22, %dma_start3A_30, %dma_start3A_31] : memref<16x32x128xf32, #tpu.memory_space<vmem>> -> memref<1x32x128xf32, #tpu.memory_space<vmem>>
    %dma_start3A_33 = tpu.memref_squeeze %dma_start3A_32 : memref<1x32x128xf32, #tpu.memory_space<vmem>> -> memref<32x128xf32, #tpu.memory_space<vmem>>
    %dma_start3A_34 = arith.constant 0 : i32
    %dma_start3A_35 = tpu.memref_slice %arg2[%dma_start3A_21, %multiple_of3A, %dma_start3A_34] : memref<16x1000x128xf32, #tpu.memory_space<hbm>> -> memref<1x32x128xf32, #tpu.memory_space<hbm>>
    %dma_start3A_36 = tpu.memref_squeeze %dma_start3A_35 : memref<1x32x128xf32, #tpu.memory_space<hbm>> -> memref<32x128xf32, #tpu.memory_space<hbm>>
    tpu.enqueue_dma source(%dma_start3A_36 : memref<32x128xf32, #tpu.memory_space<hbm>>) target(%dma_start3A_33 : memref<32x128xf32, #tpu.memory_space<vmem>>) target_semaphore(%arg6 : memref<!tpu.dma_semaphore, #tpu.memory_space<semaphore_mem>>)
    %dma_start3A_37 = arith.constant 2 : i32
    %dma_start3A_38 = arith.constant 2 : i32
    %dma_start3A_39 = arith.constant 0 : i32
    %dma_start3A_40 = arith.constant 0 : i32
    %dma_start3A_41 = tpu.memref_slice %arg4[%dma_start3A_38, %dma_start3A_39, %dma_start3A_40] : memref<16x32x128xf32, #tpu.memory_space<vmem>> -> memref<1x32x128xf32, #tpu.memory_space<vmem>>
    %dma_start3A_42 = tpu.memref_squeeze %dma_start3A_41 : memref<1x32x128xf32, #tpu.memory_space<vmem>> -> memref<32x128xf32, #tpu.memory_space<vmem>>
    %dma_start3A_43 = arith.constant 0 : i32
    %dma_start3A_44 = tpu.memref_slice %arg2[%dma_start3A_37, %multiple_of3A, %dma_start3A_43] : memref<16x1000x128xf32, #tpu.memory_space<hbm>> -> memref<1x32x128xf32, #tpu.memory_space<hbm>>
    %dma_start3A_45 = tpu.memref_squeeze %dma_start3A_44 : memref<1x32x128xf32, #tpu.memory_space<hbm>> -> memref<32x128xf32, #tpu.memory_space<hbm>>
    %dma_start3A_46 = arith.constant 0 : i32
    %dma_start3A_47 = arith.constant 0 : i32
    %dma_start3A_48 = tpu.memref_slice %arg4[%dma_start3A_38, %dma_start3A_46, %dma_start3A_47] : memref<16x32x128xf32, #tpu.memory_space<vmem>> -> memref<1x32x128xf32, #tpu.memory_space<vmem>>
    %dma_start3A_49 = tpu.memref_squeeze %dma_start3A_48 : memref<1x32x128xf32, #tpu.memory_space<vmem>> -> memref<32x128xf32, #tpu.memory_space<vmem>>
    %dma_start3A_50 = arith.constant 0 : i32
    %dma_start3A_51 = tpu.memref_slice %arg2[%dma_start3A_37, %multiple_of3A, %dma_start3A_50] : memref<16x1000x128xf32, #tpu.memory_space<hbm>> -> memref<1x32x128xf32, #tpu.memory_space<hbm>>
    %dma_start3A_52 = tpu.memref_squeeze %dma_start3A_51 : memref<1x32x128xf32, #tpu.memory_space<hbm>> -> memref<32x128xf32, #tpu.memory_space<hbm>>
    tpu.enqueue_dma source(%dma_start3A_52 : memref<32x128xf32, #tpu.memory_space<hbm>>) target(%dma_start3A_49 : memref<32x128xf32, #tpu.memory_space<vmem>>) target_semaphore(%arg6 : memref<!tpu.dma_semaphore, #tpu.memory_space<semaphore_mem>>)
    %dma_start3A_53 = arith.constant 3 : i32
    %dma_start3A_54 = arith.constant 3 : i32
    %dma_start3A_55 = arith.constant 0 : i32
    %dma_start3A_56 = arith.constant 0 : i32
    %dma_start3A_57 = tpu.memref_slice %arg4[%dma_start3A_54, %dma_start3A_55, %dma_start3A_56] : memref<16x32x128xf32, #tpu.memory_space<vmem>> -> memref<1x32x128xf32, #tpu.memory_space<vmem>>
    %dma_start3A_58 = tpu.memref_squeeze %dma_start3A_57 : memref<1x32x128xf32, #tpu.memory_space<vmem>> -> memref<32x128xf32, #tpu.memory_space<vmem>>
    %dma_start3A_59 = arith.constant 0 : i32
    %dma_start3A_60 = tpu.memref_slice %arg2[%dma_start3A_53, %multiple_of3A, %dma_start3A_59] : memref<16x1000x128xf32, #tpu.memory_space<hbm>> -> memref<1x32x128xf32, #tpu.memory_space<hbm>>
    %dma_start3A_61 = tpu.memref_squeeze %dma_start3A_60 : memref<1x32x128xf32, #tpu.memory_space<hbm>> -> memref<32x128xf32, #tpu.memory_space<hbm>>
    %dma_start3A_62 = arith.constant 0 : i32
    %dma_start3A_63 = arith.constant 0 : i32
    %dma_start3A_64 = tpu.memref_slice %arg4[%dma_start3A_54, %dma_start3A_62, %dma_start3A_63] : memref<16x32x128xf32, #tpu.memory_space<vmem>> -> memref<1x32x128xf32, #tpu.memory_space<vmem>>
    %dma_start3A_65 = tpu.memref_squeeze %dma_start3A_64 : memref<1x32x128xf32, #tpu.memory_space<vmem>> -> memref<32x128xf32, #tpu.memory_space<vmem>>
    %dma_start3A_66 = arith.constant 0 : i32
    %dma_start3A_67 = tpu.memref_slice %arg2[%dma_start3A_53, %multiple_of3A, %dma_start3A_66] : memref<16x1000x128xf32, #tpu.memory_space<hbm>> -> memref<1x32x128xf32, #tpu.memory_space<hbm>>
    %dma_start3A_68 = tpu.memref_squeeze %dma_start3A_67 : memref<1x32x128xf32, #tpu.memory_space<hbm>> -> memref<32x128xf32, #tpu.memory_space<hbm>>
    tpu.enqueue_dma source(%dma_start3A_68 : memref<32x128xf32, #tpu.memory_space<hbm>>) target(%dma_start3A_65 : memref<32x128xf32, #tpu.memory_space<vmem>>) target_semaphore(%arg6 : memref<!tpu.dma_semaphore, #tpu.memory_space<semaphore_mem>>)
    %dma_start3A_69 = arith.constant 4 : i32
    %dma_start3A_70 = arith.constant 4 : i32
    %dma_start3A_71 = arith.constant 0 : i32
    %dma_start3A_72 = arith.constant 0 : i32
    %dma_start3A_73 = tpu.memref_slice %arg4[%dma_start3A_70, %dma_start3A_71, %dma_start3A_72] : memref<16x32x128xf32, #tpu.memory_space<vmem>> -> memref<1x32x128xf32, #tpu.memory_space<vmem>>
    %dma_start3A_74 = tpu.memref_squeeze %dma_start3A_73 : memref<1x32x128xf32, #tpu.memory_space<vmem>> -> memref<32x128xf32, #tpu.memory_space<vmem>>
    %dma_start3A_75 = arith.constant 0 : i32
    %dma_start3A_76 = tpu.memref_slice %arg2[%dma_start3A_69, %multiple_of3A, %dma_start3A_75] : memref<16x1000x128xf32, #tpu.memory_space<hbm>> -> memref<1x32x128xf32, #tpu.memory_space<hbm>>
    %dma_start3A_77 = tpu.memref_squeeze %dma_start3A_76 : memref<1x32x128xf32, #tpu.memory_space<hbm>> -> memref<32x128xf32, #tpu.memory_space<hbm>>
    %dma_start3A_78 = arith.constant 0 : i32
    %dma_start3A_79 = arith.constant 0 : i32
    %dma_start3A_80 = tpu.memref_slice %arg4[%dma_start3A_70, %dma_start3A_78, %dma_start3A_79] : memref<16x32x128xf32, #tpu.memory_space<vmem>> -> memref<1x32x128xf32, #tpu.memory_space<vmem>>
    %dma_start3A_81 = tpu.memref_squeeze %dma_start3A_80 : memref<1x32x128xf32, #tpu.memory_space<vmem>> -> memref<32x128xf32, #tpu.memory_space<vmem>>
    %dma_start3A_82 = arith.constant 0 : i32
    %dma_start3A_83 = tpu.memref_slice %arg2[%dma_start3A_69, %multiple_of3A, %dma_start3A_82] : memref<16x1000x128xf32, #tpu.memory_space<hbm>> -> memref<1x32x128xf32, #tpu.memory_space<hbm>>
    %dma_start3A_84 = tpu.memref_squeeze %dma_start3A_83 : memref<1x32x128xf32, #tpu.memory_space<hbm>> -> memref<32x128xf32, #tpu.memory_space<hbm>>
    tpu.enqueue_dma source(%dma_start3A_84 : memref<32x128xf32, #tpu.memory_space<hbm>>) target(%dma_start3A_81 : memref<32x128xf32, #tpu.memory_space<vmem>>) target_semaphore(%arg6 : memref<!tpu.dma_semaphore, #tpu.memory_space<semaphore_mem>>)
    %dma_start3A_85 = arith.constant 5 : i32
    %dma_start3A_86 = arith.constant 5 : i32
    %dma_start3A_87 = arith.constant 0 : i32
    %dma_start3A_88 = arith.constant 0 : i32
    %dma_start3A_89 = tpu.memref_slice %arg4[%dma_start3A_86, %dma_start3A_87, %dma_start3A_88] : memref<16x32x128xf32, #tpu.memory_space<vmem>> -> memref<1x32x128xf32, #tpu.memory_space<vmem>>
    %dma_start3A_90 = tpu.memref_squeeze %dma_start3A_89 : memref<1x32x128xf32, #tpu.memory_space<vmem>> -> memref<32x128xf32, #tpu.memory_space<vmem>>
    %dma_start3A_91 = arith.constant 0 : i32
    %dma_start3A_92 = tpu.memref_slice %arg2[%dma_start3A_85, %multiple_of3A, %dma_start3A_91] : memref<16x1000x128xf32, #tpu.memory_space<hbm>> -> memref<1x32x128xf32, #tpu.memory_space<hbm>>
    %dma_start3A_93 = tpu.memref_squeeze %dma_start3A_92 : memref<1x32x128xf32, #tpu.memory_space<hbm>> -> memref<32x128xf32, #tpu.memory_space<hbm>>
    %dma_start3A_94 = arith.constant 0 : i32
    %dma_start3A_95 = arith.constant 0 : i32
    %dma_start3A_96 = tpu.memref_slice %arg4[%dma_start3A_86, %dma_start3A_94, %dma_start3A_95] : memref<16x32x128xf32, #tpu.memory_space<vmem>> -> memref<1x32x128xf32, #tpu.memory_space<vmem>>
    %dma_start3A_97 = tpu.memref_squeeze %dma_start3A_96 : memref<1x32x128xf32, #tpu.memory_space<vmem>> -> memref<32x128xf32, #tpu.memory_space<vmem>>
    %dma_start3A_98 = arith.constant 0 : i32
    %dma_start3A_99 = tpu.memref_slice %arg2[%dma_start3A_85, %multiple_of3A, %dma_start3A_98] : memref<16x1000x128xf32, #tpu.memory_space<hbm>> -> memref<1x32x128xf32, #tpu.memory_space<hbm>>
    %dma_start3A_100 = tpu.memref_squeeze %dma_start3A_99 : memref<1x32x128xf32, #tpu.memory_space<hbm>> -> memref<32x128xf32, #tpu.memory_space<hbm>>
    tpu.enqueue_dma source(%dma_start3A_100 : memref<32x128xf32, #tpu.memory_space<hbm>>) target(%dma_start3A_97 : memref<32x128xf32, #tpu.memory_space<vmem>>) target_semaphore(%arg6 : memref<!tpu.dma_semaphore, #tpu.memory_space<semaphore_mem>>)
    %dma_start3A_101 = arith.constant 6 : i32
    %dma_start3A_102 = arith.constant 6 : i32
    %dma_start3A_103 = arith.constant 0 : i32
    %dma_start3A_104 = arith.constant 0 : i32
    %dma_start3A_105 = tpu.memref_slice %arg4[%dma_start3A_102, %dma_start3A_103, %dma_start3A_104] : memref<16x32x128xf32, #tpu.memory_space<vmem>> -> memref<1x32x128xf32, #tpu.memory_space<vmem>>
    %dma_start3A_106 = tpu.memref_squeeze %dma_start3A_105 : memref<1x32x128xf32, #tpu.memory_space<vmem>> -> memref<32x128xf32, #tpu.memory_space<vmem>>
    %dma_start3A_107 = arith.constant 0 : i32
    %dma_start3A_108 = tpu.memref_slice %arg2[%dma_start3A_101, %multiple_of3A, %dma_start3A_107] : memref<16x1000x128xf32, #tpu.memory_space<hbm>> -> memref<1x32x128xf32, #tpu.memory_space<hbm>>
    %dma_start3A_109 = tpu.memref_squeeze %dma_start3A_108 : memref<1x32x128xf32, #tpu.memory_space<hbm>> -> memref<32x128xf32, #tpu.memory_space<hbm>>
    %dma_start3A_110 = arith.constant 0 : i32
    %dma_start3A_111 = arith.constant 0 : i32
    %dma_start3A_112 = tpu.memref_slice %arg4[%dma_start3A_102, %dma_start3A_110, %dma_start3A_111] : memref<16x32x128xf32, #tpu.memory_space<vmem>> -> memref<1x32x128xf32, #tpu.memory_space<vmem>>
    %dma_start3A_113 = tpu.memref_squeeze %dma_start3A_112 : memref<1x32x128xf32, #tpu.memory_space<vmem>> -> memref<32x128xf32, #tpu.memory_space<vmem>>
    %dma_start3A_114 = arith.constant 0 : i32
    %dma_start3A_115 = tpu.memref_slice %arg2[%dma_start3A_101, %multiple_of3A, %dma_start3A_114] : memref<16x1000x128xf32, #tpu.memory_space<hbm>> -> memref<1x32x128xf32, #tpu.memory_space<hbm>>
    %dma_start3A_116 = tpu.memref_squeeze %dma_start3A_115 : memref<1x32x128xf32, #tpu.memory_space<hbm>> -> memref<32x128xf32, #tpu.memory_space<hbm>>
    tpu.enqueue_dma source(%dma_start3A_116 : memref<32x128xf32, #tpu.memory_space<hbm>>) target(%dma_start3A_113 : memref<32x128xf32, #tpu.memory_space<vmem>>) target_semaphore(%arg6 : memref<!tpu.dma_semaphore, #tpu.memory_space<semaphore_mem>>)
    %dma_start3A_117 = arith.constant 7 : i32
    %dma_start3A_118 = arith.constant 7 : i32
    %dma_start3A_119 = arith.constant 0 : i32
    %dma_start3A_120 = arith.constant 0 : i32
    %dma_start3A_121 = tpu.memref_slice %arg4[%dma_start3A_118, %dma_start3A_119, %dma_start3A_120] : memref<16x32x128xf32, #tpu.memory_space<vmem>> -> memref<1x32x128xf32, #tpu.memory_space<vmem>>
    %dma_start3A_122 = tpu.memref_squeeze %dma_start3A_121 : memref<1x32x128xf32, #tpu.memory_space<vmem>> -> memref<32x128xf32, #tpu.memory_space<vmem>>
    %dma_start3A_123 = arith.constant 0 : i32
    %dma_start3A_124 = tpu.memref_slice %arg2[%dma_start3A_117, %multiple_of3A, %dma_start3A_123] : memref<16x1000x128xf32, #tpu.memory_space<hbm>> -> memref<1x32x128xf32, #tpu.memory_space<hbm>>
    %dma_start3A_125 = tpu.memref_squeeze %dma_start3A_124 : memref<1x32x128xf32, #tpu.memory_space<hbm>> -> memref<32x128xf32, #tpu.memory_space<hbm>>
    %dma_start3A_126 = arith.constant 0 : i32
    %dma_start3A_127 = arith.constant 0 : i32
    %dma_start3A_128 = tpu.memref_slice %arg4[%dma_start3A_118, %dma_start3A_126, %dma_start3A_127] : memref<16x32x128xf32, #tpu.memory_space<vmem>> -> memref<1x32x128xf32, #tpu.memory_space<vmem>>
    %dma_start3A_129 = tpu.memref_squeeze %dma_start3A_128 : memref<1x32x128xf32, #tpu.memory_space<vmem>> -> memref<32x128xf32, #tpu.memory_space<vmem>>
    %dma_start3A_130 = arith.constant 0 : i32
    %dma_start3A_131 = tpu.memref_slice %arg2[%dma_start3A_117, %multiple_of3A, %dma_start3A_130] : memref<16x1000x128xf32, #tpu.memory_space<hbm>> -> memref<1x32x128xf32, #tpu.memory_space<hbm>>
    %dma_start3A_132 = tpu.memref_squeeze %dma_start3A_131 : memref<1x32x128xf32, #tpu.memory_space<hbm>> -> memref<32x128xf32, #tpu.memory_space<hbm>>
    tpu.enqueue_dma source(%dma_start3A_132 : memref<32x128xf32, #tpu.memory_space<hbm>>) target(%dma_start3A_129 : memref<32x128xf32, #tpu.memory_space<vmem>>) target_semaphore(%arg6 : memref<!tpu.dma_semaphore, #tpu.memory_space<semaphore_mem>>)
    %dma_start3A_133 = arith.constant 8 : i32
    %dma_start3A_134 = arith.constant 8 : i32
    %dma_start3A_135 = arith.constant 0 : i32
    %dma_start3A_136 = arith.constant 0 : i32
    %dma_start3A_137 = tpu.memref_slice %arg4[%dma_start3A_134, %dma_start3A_135, %dma_start3A_136] : memref<16x32x128xf32, #tpu.memory_space<vmem>> -> memref<1x32x128xf32, #tpu.memory_space<vmem>>
    %dma_start3A_138 = tpu.memref_squeeze %dma_start3A_137 : memref<1x32x128xf32, #tpu.memory_space<vmem>> -> memref<32x128xf32, #tpu.memory_space<vmem>>
    %dma_start3A_139 = arith.constant 0 : i32
    %dma_start3A_140 = tpu.memref_slice %arg2[%dma_start3A_133, %multiple_of3A, %dma_start3A_139] : memref<16x1000x128xf32, #tpu.memory_space<hbm>> -> memref<1x32x128xf32, #tpu.memory_space<hbm>>
    %dma_start3A_141 = tpu.memref_squeeze %dma_start3A_140 : memref<1x32x128xf32, #tpu.memory_space<hbm>> -> memref<32x128xf32, #tpu.memory_space<hbm>>
    %dma_start3A_142 = arith.constant 0 : i32
    %dma_start3A_143 = arith.constant 0 : i32
    %dma_start3A_144 = tpu.memref_slice %arg4[%dma_start3A_134, %dma_start3A_142, %dma_start3A_143] : memref<16x32x128xf32, #tpu.memory_space<vmem>> -> memref<1x32x128xf32, #tpu.memory_space<vmem>>
    %dma_start3A_145 = tpu.memref_squeeze %dma_start3A_144 : memref<1x32x128xf32, #tpu.memory_space<vmem>> -> memref<32x128xf32, #tpu.memory_space<vmem>>
    %dma_start3A_146 = arith.constant 0 : i32
    %dma_start3A_147 = tpu.memref_slice %arg2[%dma_start3A_133, %multiple_of3A, %dma_start3A_146] : memref<16x1000x128xf32, #tpu.memory_space<hbm>> -> memref<1x32x128xf32, #tpu.memory_space<hbm>>
    %dma_start3A_148 = tpu.memref_squeeze %dma_start3A_147 : memref<1x32x128xf32, #tpu.memory_space<hbm>> -> memref<32x128xf32, #tpu.memory_space<hbm>>
    tpu.enqueue_dma source(%dma_start3A_148 : memref<32x128xf32, #tpu.memory_space<hbm>>) target(%dma_start3A_145 : memref<32x128xf32, #tpu.memory_space<vmem>>) target_semaphore(%arg6 : memref<!tpu.dma_semaphore, #tpu.memory_space<semaphore_mem>>)
    %dma_start3A_149 = arith.constant 9 : i32
    %dma_start3A_150 = arith.constant 9 : i32
    %dma_start3A_151 = arith.constant 0 : i32
    %dma_start3A_152 = arith.constant 0 : i32
    %dma_start3A_153 = tpu.memref_slice %arg4[%dma_start3A_150, %dma_start3A_151, %dma_start3A_152] : memref<16x32x128xf32, #tpu.memory_space<vmem>> -> memref<1x32x128xf32, #tpu.memory_space<vmem>>
    %dma_start3A_154 = tpu.memref_squeeze %dma_start3A_153 : memref<1x32x128xf32, #tpu.memory_space<vmem>> -> memref<32x128xf32, #tpu.memory_space<vmem>>
    %dma_start3A_155 = arith.constant 0 : i32
    %dma_start3A_156 = tpu.memref_slice %arg2[%dma_start3A_149, %multiple_of3A, %dma_start3A_155] : memref<16x1000x128xf32, #tpu.memory_space<hbm>> -> memref<1x32x128xf32, #tpu.memory_space<hbm>>
    %dma_start3A_157 = tpu.memref_squeeze %dma_start3A_156 : memref<1x32x128xf32, #tpu.memory_space<hbm>> -> memref<32x128xf32, #tpu.memory_space<hbm>>
    %dma_start3A_158 = arith.constant 0 : i32
    %dma_start3A_159 = arith.constant 0 : i32
    %dma_start3A_160 = tpu.memref_slice %arg4[%dma_start3A_150, %dma_start3A_158, %dma_start3A_159] : memref<16x32x128xf32, #tpu.memory_space<vmem>> -> memref<1x32x128xf32, #tpu.memory_space<vmem>>
    %dma_start3A_161 = tpu.memref_squeeze %dma_start3A_160 : memref<1x32x128xf32, #tpu.memory_space<vmem>> -> memref<32x128xf32, #tpu.memory_space<vmem>>
    %dma_start3A_162 = arith.constant 0 : i32
    %dma_start3A_163 = tpu.memref_slice %arg2[%dma_start3A_149, %multiple_of3A, %dma_start3A_162] : memref<16x1000x128xf32, #tpu.memory_space<hbm>> -> memref<1x32x128xf32, #tpu.memory_space<hbm>>
    %dma_start3A_164 = tpu.memref_squeeze %dma_start3A_163 : memref<1x32x128xf32, #tpu.memory_space<hbm>> -> memref<32x128xf32, #tpu.memory_space<hbm>>
    tpu.enqueue_dma source(%dma_start3A_164 : memref<32x128xf32, #tpu.memory_space<hbm>>) target(%dma_start3A_161 : memref<32x128xf32, #tpu.memory_space<vmem>>) target_semaphore(%arg6 : memref<!tpu.dma_semaphore, #tpu.memory_space<semaphore_mem>>)
    %dma_start3A_165 = arith.constant 10 : i32
    %dma_start3A_166 = arith.constant 10 : i32
    %dma_start3A_167 = arith.constant 0 : i32
    %dma_start3A_168 = arith.constant 0 : i32
    %dma_start3A_169 = tpu.memref_slice %arg4[%dma_start3A_166, %dma_start3A_167, %dma_start3A_168] : memref<16x32x128xf32, #tpu.memory_space<vmem>> -> memref<1x32x128xf32, #tpu.memory_space<vmem>>
    %dma_start3A_170 = tpu.memref_squeeze %dma_start3A_169 : memref<1x32x128xf32, #tpu.memory_space<vmem>> -> memref<32x128xf32, #tpu.memory_space<vmem>>
    %dma_start3A_171 = arith.constant 0 : i32
    %dma_start3A_172 = tpu.memref_slice %arg2[%dma_start3A_165, %multiple_of3A, %dma_start3A_171] : memref<16x1000x128xf32, #tpu.memory_space<hbm>> -> memref<1x32x128xf32, #tpu.memory_space<hbm>>
    %dma_start3A_173 = tpu.memref_squeeze %dma_start3A_172 : memref<1x32x128xf32, #tpu.memory_space<hbm>> -> memref<32x128xf32, #tpu.memory_space<hbm>>
    %dma_start3A_174 = arith.constant 0 : i32
    %dma_start3A_175 = arith.constant 0 : i32
    %dma_start3A_176 = tpu.memref_slice %arg4[%dma_start3A_166, %dma_start3A_174, %dma_start3A_175] : memref<16x32x128xf32, #tpu.memory_space<vmem>> -> memref<1x32x128xf32, #tpu.memory_space<vmem>>
    %dma_start3A_177 = tpu.memref_squeeze %dma_start3A_176 : memref<1x32x128xf32, #tpu.memory_space<vmem>> -> memref<32x128xf32, #tpu.memory_space<vmem>>
    %dma_start3A_178 = arith.constant 0 : i32
    %dma_start3A_179 = tpu.memref_slice %arg2[%dma_start3A_165, %multiple_of3A, %dma_start3A_178] : memref<16x1000x128xf32, #tpu.memory_space<hbm>> -> memref<1x32x128xf32, #tpu.memory_space<hbm>>
    %dma_start3A_180 = tpu.memref_squeeze %dma_start3A_179 : memref<1x32x128xf32, #tpu.memory_space<hbm>> -> memref<32x128xf32, #tpu.memory_space<hbm>>
    tpu.enqueue_dma source(%dma_start3A_180 : memref<32x128xf32, #tpu.memory_space<hbm>>) target(%dma_start3A_177 : memref<32x128xf32, #tpu.memory_space<vmem>>) target_semaphore(%arg6 : memref<!tpu.dma_semaphore, #tpu.memory_space<semaphore_mem>>)
    %dma_start3A_181 = arith.constant 11 : i32
    %dma_start3A_182 = arith.constant 11 : i32
    %dma_start3A_183 = arith.constant 0 : i32
    %dma_start3A_184 = arith.constant 0 : i32
    %dma_start3A_185 = tpu.memref_slice %arg4[%dma_start3A_182, %dma_start3A_183, %dma_start3A_184] : memref<16x32x128xf32, #tpu.memory_space<vmem>> -> memref<1x32x128xf32, #tpu.memory_space<vmem>>
    %dma_start3A_186 = tpu.memref_squeeze %dma_start3A_185 : memref<1x32x128xf32, #tpu.memory_space<vmem>> -> memref<32x128xf32, #tpu.memory_space<vmem>>
    %dma_start3A_187 = arith.constant 0 : i32
    %dma_start3A_188 = tpu.memref_slice %arg2[%dma_start3A_181, %multiple_of3A, %dma_start3A_187] : memref<16x1000x128xf32, #tpu.memory_space<hbm>> -> memref<1x32x128xf32, #tpu.memory_space<hbm>>
    %dma_start3A_189 = tpu.memref_squeeze %dma_start3A_188 : memref<1x32x128xf32, #tpu.memory_space<hbm>> -> memref<32x128xf32, #tpu.memory_space<hbm>>
    %dma_start3A_190 = arith.constant 0 : i32
    %dma_start3A_191 = arith.constant 0 : i32
    %dma_start3A_192 = tpu.memref_slice %arg4[%dma_start3A_182, %dma_start3A_190, %dma_start3A_191] : memref<16x32x128xf32, #tpu.memory_space<vmem>> -> memref<1x32x128xf32, #tpu.memory_space<vmem>>
    %dma_start3A_193 = tpu.memref_squeeze %dma_start3A_192 : memref<1x32x128xf32, #tpu.memory_space<vmem>> -> memref<32x128xf32, #tpu.memory_space<vmem>>
    %dma_start3A_194 = arith.constant 0 : i32
    %dma_start3A_195 = tpu.memref_slice %arg2[%dma_start3A_181, %multiple_of3A, %dma_start3A_194] : memref<16x1000x128xf32, #tpu.memory_space<hbm>> -> memref<1x32x128xf32, #tpu.memory_space<hbm>>
    %dma_start3A_196 = tpu.memref_squeeze %dma_start3A_195 : memref<1x32x128xf32, #tpu.memory_space<hbm>> -> memref<32x128xf32, #tpu.memory_space<hbm>>
    tpu.enqueue_dma source(%dma_start3A_196 : memref<32x128xf32, #tpu.memory_space<hbm>>) target(%dma_start3A_193 : memref<32x128xf32, #tpu.memory_space<vmem>>) target_semaphore(%arg6 : memref<!tpu.dma_semaphore, #tpu.memory_space<semaphore_mem>>)
    %dma_start3A_197 = arith.constant 12 : i32
    %dma_start3A_198 = arith.constant 12 : i32
    %dma_start3A_199 = arith.constant 0 : i32
    %dma_start3A_200 = arith.constant 0 : i32
    %dma_start3A_201 = tpu.memref_slice %arg4[%dma_start3A_198, %dma_start3A_199, %dma_start3A_200] : memref<16x32x128xf32, #tpu.memory_space<vmem>> -> memref<1x32x128xf32, #tpu.memory_space<vmem>>
    %dma_start3A_202 = tpu.memref_squeeze %dma_start3A_201 : memref<1x32x128xf32, #tpu.memory_space<vmem>> -> memref<32x128xf32, #tpu.memory_space<vmem>>
    %dma_start3A_203 = arith.constant 0 : i32
    %dma_start3A_204 = tpu.memref_slice %arg2[%dma_start3A_197, %multiple_of3A, %dma_start3A_203] : memref<16x1000x128xf32, #tpu.memory_space<hbm>> -> memref<1x32x128xf32, #tpu.memory_space<hbm>>
    %dma_start3A_205 = tpu.memref_squeeze %dma_start3A_204 : memref<1x32x128xf32, #tpu.memory_space<hbm>> -> memref<32x128xf32, #tpu.memory_space<hbm>>
    %dma_start3A_206 = arith.constant 0 : i32
    %dma_start3A_207 = arith.constant 0 : i32
    %dma_start3A_208 = tpu.memref_slice %arg4[%dma_start3A_198, %dma_start3A_206, %dma_start3A_207] : memref<16x32x128xf32, #tpu.memory_space<vmem>> -> memref<1x32x128xf32, #tpu.memory_space<vmem>>
    %dma_start3A_209 = tpu.memref_squeeze %dma_start3A_208 : memref<1x32x128xf32, #tpu.memory_space<vmem>> -> memref<32x128xf32, #tpu.memory_space<vmem>>
    %dma_start3A_210 = arith.constant 0 : i32
    %dma_start3A_211 = tpu.memref_slice %arg2[%dma_start3A_197, %multiple_of3A, %dma_start3A_210] : memref<16x1000x128xf32, #tpu.memory_space<hbm>> -> memref<1x32x128xf32, #tpu.memory_space<hbm>>
    %dma_start3A_212 = tpu.memref_squeeze %dma_start3A_211 : memref<1x32x128xf32, #tpu.memory_space<hbm>> -> memref<32x128xf32, #tpu.memory_space<hbm>>
    tpu.enqueue_dma source(%dma_start3A_212 : memref<32x128xf32, #tpu.memory_space<hbm>>) target(%dma_start3A_209 : memref<32x128xf32, #tpu.memory_space<vmem>>) target_semaphore(%arg6 : memref<!tpu.dma_semaphore, #tpu.memory_space<semaphore_mem>>)
    %dma_start3A_213 = arith.constant 13 : i32
    %dma_start3A_214 = arith.constant 13 : i32
    %dma_start3A_215 = arith.constant 0 : i32
    %dma_start3A_216 = arith.constant 0 : i32
    %dma_start3A_217 = tpu.memref_slice %arg4[%dma_start3A_214, %dma_start3A_215, %dma_start3A_216] : memref<16x32x128xf32, #tpu.memory_space<vmem>> -> memref<1x32x128xf32, #tpu.memory_space<vmem>>
    %dma_start3A_218 = tpu.memref_squeeze %dma_start3A_217 : memref<1x32x128xf32, #tpu.memory_space<vmem>> -> memref<32x128xf32, #tpu.memory_space<vmem>>
    %dma_start3A_219 = arith.constant 0 : i32
    %dma_start3A_220 = tpu.memref_slice %arg2[%dma_start3A_213, %multiple_of3A, %dma_start3A_219] : memref<16x1000x128xf32, #tpu.memory_space<hbm>> -> memref<1x32x128xf32, #tpu.memory_space<hbm>>
    %dma_start3A_221 = tpu.memref_squeeze %dma_start3A_220 : memref<1x32x128xf32, #tpu.memory_space<hbm>> -> memref<32x128xf32, #tpu.memory_space<hbm>>
    %dma_start3A_222 = arith.constant 0 : i32
    %dma_start3A_223 = arith.constant 0 : i32
    %dma_start3A_224 = tpu.memref_slice %arg4[%dma_start3A_214, %dma_start3A_222, %dma_start3A_223] : memref<16x32x128xf32, #tpu.memory_space<vmem>> -> memref<1x32x128xf32, #tpu.memory_space<vmem>>
    %dma_start3A_225 = tpu.memref_squeeze %dma_start3A_224 : memref<1x32x128xf32, #tpu.memory_space<vmem>> -> memref<32x128xf32, #tpu.memory_space<vmem>>
    %dma_start3A_226 = arith.constant 0 : i32
    %dma_start3A_227 = tpu.memref_slice %arg2[%dma_start3A_213, %multiple_of3A, %dma_start3A_226] : memref<16x1000x128xf32, #tpu.memory_space<hbm>> -> memref<1x32x128xf32, #tpu.memory_space<hbm>>
    %dma_start3A_228 = tpu.memref_squeeze %dma_start3A_227 : memref<1x32x128xf32, #tpu.memory_space<hbm>> -> memref<32x128xf32, #tpu.memory_space<hbm>>
    tpu.enqueue_dma source(%dma_start3A_228 : memref<32x128xf32, #tpu.memory_space<hbm>>) target(%dma_start3A_225 : memref<32x128xf32, #tpu.memory_space<vmem>>) target_semaphore(%arg6 : memref<!tpu.dma_semaphore, #tpu.memory_space<semaphore_mem>>)
    %dma_start3A_229 = arith.constant 14 : i32
    %dma_start3A_230 = arith.constant 14 : i32
    %dma_start3A_231 = arith.constant 0 : i32
    %dma_start3A_232 = arith.constant 0 : i32
    %dma_start3A_233 = tpu.memref_slice %arg4[%dma_start3A_230, %dma_start3A_231, %dma_start3A_232] : memref<16x32x128xf32, #tpu.memory_space<vmem>> -> memref<1x32x128xf32, #tpu.memory_space<vmem>>
    %dma_start3A_234 = tpu.memref_squeeze %dma_start3A_233 : memref<1x32x128xf32, #tpu.memory_space<vmem>> -> memref<32x128xf32, #tpu.memory_space<vmem>>
    %dma_start3A_235 = arith.constant 0 : i32
    %dma_start3A_236 = tpu.memref_slice %arg2[%dma_start3A_229, %multiple_of3A, %dma_start3A_235] : memref<16x1000x128xf32, #tpu.memory_space<hbm>> -> memref<1x32x128xf32, #tpu.memory_space<hbm>>
    %dma_start3A_237 = tpu.memref_squeeze %dma_start3A_236 : memref<1x32x128xf32, #tpu.memory_space<hbm>> -> memref<32x128xf32, #tpu.memory_space<hbm>>
    %dma_start3A_238 = arith.constant 0 : i32
    %dma_start3A_239 = arith.constant 0 : i32
    %dma_start3A_240 = tpu.memref_slice %arg4[%dma_start3A_230, %dma_start3A_238, %dma_start3A_239] : memref<16x32x128xf32, #tpu.memory_space<vmem>> -> memref<1x32x128xf32, #tpu.memory_space<vmem>>
    %dma_start3A_241 = tpu.memref_squeeze %dma_start3A_240 : memref<1x32x128xf32, #tpu.memory_space<vmem>> -> memref<32x128xf32, #tpu.memory_space<vmem>>
    %dma_start3A_242 = arith.constant 0 : i32
    %dma_start3A_243 = tpu.memref_slice %arg2[%dma_start3A_229, %multiple_of3A, %dma_start3A_242] : memref<16x1000x128xf32, #tpu.memory_space<hbm>> -> memref<1x32x128xf32, #tpu.memory_space<hbm>>
    %dma_start3A_244 = tpu.memref_squeeze %dma_start3A_243 : memref<1x32x128xf32, #tpu.memory_space<hbm>> -> memref<32x128xf32, #tpu.memory_space<hbm>>
    tpu.enqueue_dma source(%dma_start3A_244 : memref<32x128xf32, #tpu.memory_space<hbm>>) target(%dma_start3A_241 : memref<32x128xf32, #tpu.memory_space<vmem>>) target_semaphore(%arg6 : memref<!tpu.dma_semaphore, #tpu.memory_space<semaphore_mem>>)
    %dma_start3A_245 = arith.constant 15 : i32
    %dma_start3A_246 = arith.constant 15 : i32
    %dma_start3A_247 = arith.constant 0 : i32
    %dma_start3A_248 = arith.constant 0 : i32
    %dma_start3A_249 = tpu.memref_slice %arg4[%dma_start3A_246, %dma_start3A_247, %dma_start3A_248] : memref<16x32x128xf32, #tpu.memory_space<vmem>> -> memref<1x32x128xf32, #tpu.memory_space<vmem>>
    %dma_start3A_250 = tpu.memref_squeeze %dma_start3A_249 : memref<1x32x128xf32, #tpu.memory_space<vmem>> -> memref<32x128xf32, #tpu.memory_space<vmem>>
    %dma_start3A_251 = arith.constant 0 : i32
    %dma_start3A_252 = tpu.memref_slice %arg2[%dma_start3A_245, %multiple_of3A, %dma_start3A_251] : memref<16x1000x128xf32, #tpu.memory_space<hbm>> -> memref<1x32x128xf32, #tpu.memory_space<hbm>>
    %dma_start3A_253 = tpu.memref_squeeze %dma_start3A_252 : memref<1x32x128xf32, #tpu.memory_space<hbm>> -> memref<32x128xf32, #tpu.memory_space<hbm>>
    %dma_start3A_254 = arith.constant 0 : i32
    %dma_start3A_255 = arith.constant 0 : i32
    %dma_start3A_256 = tpu.memref_slice %arg4[%dma_start3A_246, %dma_start3A_254, %dma_start3A_255] : memref<16x32x128xf32, #tpu.memory_space<vmem>> -> memref<1x32x128xf32, #tpu.memory_space<vmem>>
    %dma_start3A_257 = tpu.memref_squeeze %dma_start3A_256 : memref<1x32x128xf32, #tpu.memory_space<vmem>> -> memref<32x128xf32, #tpu.memory_space<vmem>>
    %dma_start3A_258 = arith.constant 0 : i32
    %dma_start3A_259 = tpu.memref_slice %arg2[%dma_start3A_245, %multiple_of3A, %dma_start3A_258] : memref<16x1000x128xf32, #tpu.memory_space<hbm>> -> memref<1x32x128xf32, #tpu.memory_space<hbm>>
    %dma_start3A_260 = tpu.memref_squeeze %dma_start3A_259 : memref<1x32x128xf32, #tpu.memory_space<hbm>> -> memref<32x128xf32, #tpu.memory_space<hbm>>
    tpu.enqueue_dma source(%dma_start3A_260 : memref<32x128xf32, #tpu.memory_space<hbm>>) target(%dma_start3A_257 : memref<32x128xf32, #tpu.memory_space<vmem>>) target_semaphore(%arg6 : memref<!tpu.dma_semaphore, #tpu.memory_space<semaphore_mem>>)
    %dma_wait3A = arith.constant 0 : i32
    %dma_wait3A_261 = arith.constant 0 : i32
    %dma_wait3A_262 = arith.constant 0 : i32
    %dma_wait3A_263 = arith.constant 0 : i32
    %dma_wait3A_264 = tpu.memref_slice %arg4[%dma_wait3A_261, %dma_wait3A_262, %dma_wait3A_263] : memref<16x32x128xf32, #tpu.memory_space<vmem>> -> memref<1x32x128xf32, #tpu.memory_space<vmem>>
    %dma_wait3A_265 = tpu.memref_squeeze %dma_wait3A_264 : memref<1x32x128xf32, #tpu.memory_space<vmem>> -> memref<32x128xf32, #tpu.memory_space<vmem>>
    %dma_wait3A_266 = arith.constant 0 : i32
    %dma_wait3A_267 = tpu.memref_slice %arg2[%dma_wait3A, %multiple_of3A, %dma_wait3A_266] : memref<16x1000x128xf32, #tpu.memory_space<hbm>> -> memref<1x32x128xf32, #tpu.memory_space<hbm>>
    %dma_wait3A_268 = tpu.memref_squeeze %dma_wait3A_267 : memref<1x32x128xf32, #tpu.memory_space<hbm>> -> memref<32x128xf32, #tpu.memory_space<hbm>>
    %dma_wait3A_269 = arith.constant 0 : i32
    %dma_wait3A_270 = arith.constant 0 : i32
    %dma_wait3A_271 = tpu.memref_slice %arg4[%dma_wait3A_261, %dma_wait3A_269, %dma_wait3A_270] : memref<16x32x128xf32, #tpu.memory_space<vmem>> -> memref<1x32x128xf32, #tpu.memory_space<vmem>>
    %dma_wait3A_272 = tpu.memref_squeeze %dma_wait3A_271 : memref<1x32x128xf32, #tpu.memory_space<vmem>> -> memref<32x128xf32, #tpu.memory_space<vmem>>
    %dma_wait3A_273 = arith.constant 0 : i32
    %dma_wait3A_274 = tpu.memref_slice %arg2[%dma_wait3A, %multiple_of3A, %dma_wait3A_273] : memref<16x1000x128xf32, #tpu.memory_space<hbm>> -> memref<1x32x128xf32, #tpu.memory_space<hbm>>
    %dma_wait3A_275 = tpu.memref_squeeze %dma_wait3A_274 : memref<1x32x128xf32, #tpu.memory_space<hbm>> -> memref<32x128xf32, #tpu.memory_space<hbm>>
    tpu.wait_dma2 semaphore(%arg6 : memref<!tpu.dma_semaphore, #tpu.memory_space<semaphore_mem>>) src(%dma_wait3A_275 : memref<32x128xf32, #tpu.memory_space<hbm>>) dst(%dma_wait3A_272 : memref<32x128xf32, #tpu.memory_space<vmem>>)
    %dma_wait3A_276 = arith.constant 1 : i32
    %dma_wait3A_277 = arith.constant 1 : i32
    %dma_wait3A_278 = arith.constant 0 : i32
    %dma_wait3A_279 = arith.constant 0 : i32
    %dma_wait3A_280 = tpu.memref_slice %arg4[%dma_wait3A_277, %dma_wait3A_278, %dma_wait3A_279] : memref<16x32x128xf32, #tpu.memory_space<vmem>> -> memref<1x32x128xf32, #tpu.memory_space<vmem>>
    %dma_wait3A_281 = tpu.memref_squeeze %dma_wait3A_280 : memref<1x32x128xf32, #tpu.memory_space<vmem>> -> memref<32x128xf32, #tpu.memory_space<vmem>>
    %dma_wait3A_282 = arith.constant 0 : i32
    %dma_wait3A_283 = tpu.memref_slice %arg2[%dma_wait3A_276, %multiple_of3A, %dma_wait3A_282] : memref<16x1000x128xf32, #tpu.memory_space<hbm>> -> memref<1x32x128xf32, #tpu.memory_space<hbm>>
    %dma_wait3A_284 = tpu.memref_squeeze %dma_wait3A_283 : memref<1x32x128xf32, #tpu.memory_space<hbm>> -> memref<32x128xf32, #tpu.memory_space<hbm>>
    %dma_wait3A_285 = arith.constant 0 : i32
    %dma_wait3A_286 = arith.constant 0 : i32
    %dma_wait3A_287 = tpu.memref_slice %arg4[%dma_wait3A_277, %dma_wait3A_285, %dma_wait3A_286] : memref<16x32x128xf32, #tpu.memory_space<vmem>> -> memref<1x32x128xf32, #tpu.memory_space<vmem>>
    %dma_wait3A_288 = tpu.memref_squeeze %dma_wait3A_287 : memref<1x32x128xf32, #tpu.memory_space<vmem>> -> memref<32x128xf32, #tpu.memory_space<vmem>>
    %dma_wait3A_289 = arith.constant 0 : i32
    %dma_wait3A_290 = tpu.memref_slice %arg2[%dma_wait3A_276, %multiple_of3A, %dma_wait3A_289] : memref<16x1000x128xf32, #tpu.memory_space<hbm>> -> memref<1x32x128xf32, #tpu.memory_space<hbm>>
    %dma_wait3A_291 = tpu.memref_squeeze %dma_wait3A_290 : memref<1x32x128xf32, #tpu.memory_space<hbm>> -> memref<32x128xf32, #tpu.memory_space<hbm>>
    tpu.wait_dma2 semaphore(%arg6 : memref<!tpu.dma_semaphore, #tpu.memory_space<semaphore_mem>>) src(%dma_wait3A_291 : memref<32x128xf32, #tpu.memory_space<hbm>>) dst(%dma_wait3A_288 : memref<32x128xf32, #tpu.memory_space<vmem>>)
    %dma_wait3A_292 = arith.constant 2 : i32
    %dma_wait3A_293 = arith.constant 2 : i32
    %dma_wait3A_294 = arith.constant 0 : i32
    %dma_wait3A_295 = arith.constant 0 : i32
    %dma_wait3A_296 = tpu.memref_slice %arg4[%dma_wait3A_293, %dma_wait3A_294, %dma_wait3A_295] : memref<16x32x128xf32, #tpu.memory_space<vmem>> -> memref<1x32x128xf32, #tpu.memory_space<vmem>>
    %dma_wait3A_297 = tpu.memref_squeeze %dma_wait3A_296 : memref<1x32x128xf32, #tpu.memory_space<vmem>> -> memref<32x128xf32, #tpu.memory_space<vmem>>
    %dma_wait3A_298 = arith.constant 0 : i32
    %dma_wait3A_299 = tpu.memref_slice %arg2[%dma_wait3A_292, %multiple_of3A, %dma_wait3A_298] : memref<16x1000x128xf32, #tpu.memory_space<hbm>> -> memref<1x32x128xf32, #tpu.memory_space<hbm>>
    %dma_wait3A_300 = tpu.memref_squeeze %dma_wait3A_299 : memref<1x32x128xf32, #tpu.memory_space<hbm>> -> memref<32x128xf32, #tpu.memory_space<hbm>>
    %dma_wait3A_301 = arith.constant 0 : i32
    %dma_wait3A_302 = arith.constant 0 : i32
    %dma_wait3A_303 = tpu.memref_slice %arg4[%dma_wait3A_293, %dma_wait3A_301, %dma_wait3A_302] : memref<16x32x128xf32, #tpu.memory_space<vmem>> -> memref<1x32x128xf32, #tpu.memory_space<vmem>>
    %dma_wait3A_304 = tpu.memref_squeeze %dma_wait3A_303 : memref<1x32x128xf32, #tpu.memory_space<vmem>> -> memref<32x128xf32, #tpu.memory_space<vmem>>
    %dma_wait3A_305 = arith.constant 0 : i32
    %dma_wait3A_306 = tpu.memref_slice %arg2[%dma_wait3A_292, %multiple_of3A, %dma_wait3A_305] : memref<16x1000x128xf32, #tpu.memory_space<hbm>> -> memref<1x32x128xf32, #tpu.memory_space<hbm>>
    %dma_wait3A_307 = tpu.memref_squeeze %dma_wait3A_306 : memref<1x32x128xf32, #tpu.memory_space<hbm>> -> memref<32x128xf32, #tpu.memory_space<hbm>>
    tpu.wait_dma2 semaphore(%arg6 : memref<!tpu.dma_semaphore, #tpu.memory_space<semaphore_mem>>) src(%dma_wait3A_307 : memref<32x128xf32, #tpu.memory_space<hbm>>) dst(%dma_wait3A_304 : memref<32x128xf32, #tpu.memory_space<vmem>>)
    %dma_wait3A_308 = arith.constant 3 : i32
    %dma_wait3A_309 = arith.constant 3 : i32
    %dma_wait3A_310 = arith.constant 0 : i32
    %dma_wait3A_311 = arith.constant 0 : i32
    %dma_wait3A_312 = tpu.memref_slice %arg4[%dma_wait3A_309, %dma_wait3A_310, %dma_wait3A_311] : memref<16x32x128xf32, #tpu.memory_space<vmem>> -> memref<1x32x128xf32, #tpu.memory_space<vmem>>
    %dma_wait3A_313 = tpu.memref_squeeze %dma_wait3A_312 : memref<1x32x128xf32, #tpu.memory_space<vmem>> -> memref<32x128xf32, #tpu.memory_space<vmem>>
    %dma_wait3A_314 = arith.constant 0 : i32
    %dma_wait3A_315 = tpu.memref_slice %arg2[%dma_wait3A_308, %multiple_of3A, %dma_wait3A_314] : memref<16x1000x128xf32, #tpu.memory_space<hbm>> -> memref<1x32x128xf32, #tpu.memory_space<hbm>>
    %dma_wait3A_316 = tpu.memref_squeeze %dma_wait3A_315 : memref<1x32x128xf32, #tpu.memory_space<hbm>> -> memref<32x128xf32, #tpu.memory_space<hbm>>
    %dma_wait3A_317 = arith.constant 0 : i32
    %dma_wait3A_318 = arith.constant 0 : i32
    %dma_wait3A_319 = tpu.memref_slice %arg4[%dma_wait3A_309, %dma_wait3A_317, %dma_wait3A_318] : memref<16x32x128xf32, #tpu.memory_space<vmem>> -> memref<1x32x128xf32, #tpu.memory_space<vmem>>
    %dma_wait3A_320 = tpu.memref_squeeze %dma_wait3A_319 : memref<1x32x128xf32, #tpu.memory_space<vmem>> -> memref<32x128xf32, #tpu.memory_space<vmem>>
    %dma_wait3A_321 = arith.constant 0 : i32
    %dma_wait3A_322 = tpu.memref_slice %arg2[%dma_wait3A_308, %multiple_of3A, %dma_wait3A_321] : memref<16x1000x128xf32, #tpu.memory_space<hbm>> -> memref<1x32x128xf32, #tpu.memory_space<hbm>>
    %dma_wait3A_323 = tpu.memref_squeeze %dma_wait3A_322 : memref<1x32x128xf32, #tpu.memory_space<hbm>> -> memref<32x128xf32, #tpu.memory_space<hbm>>
    tpu.wait_dma2 semaphore(%arg6 : memref<!tpu.dma_semaphore, #tpu.memory_space<semaphore_mem>>) src(%dma_wait3A_323 : memref<32x128xf32, #tpu.memory_space<hbm>>) dst(%dma_wait3A_320 : memref<32x128xf32, #tpu.memory_space<vmem>>)
    %dma_wait3A_324 = arith.constant 4 : i32
    %dma_wait3A_325 = arith.constant 4 : i32
    %dma_wait3A_326 = arith.constant 0 : i32
    %dma_wait3A_327 = arith.constant 0 : i32
    %dma_wait3A_328 = tpu.memref_slice %arg4[%dma_wait3A_325, %dma_wait3A_326, %dma_wait3A_327] : memref<16x32x128xf32, #tpu.memory_space<vmem>> -> memref<1x32x128xf32, #tpu.memory_space<vmem>>
    %dma_wait3A_329 = tpu.memref_squeeze %dma_wait3A_328 : memref<1x32x128xf32, #tpu.memory_space<vmem>> -> memref<32x128xf32, #tpu.memory_space<vmem>>
    %dma_wait3A_330 = arith.constant 0 : i32
    %dma_wait3A_331 = tpu.memref_slice %arg2[%dma_wait3A_324, %multiple_of3A, %dma_wait3A_330] : memref<16x1000x128xf32, #tpu.memory_space<hbm>> -> memref<1x32x128xf32, #tpu.memory_space<hbm>>
    %dma_wait3A_332 = tpu.memref_squeeze %dma_wait3A_331 : memref<1x32x128xf32, #tpu.memory_space<hbm>> -> memref<32x128xf32, #tpu.memory_space<hbm>>
    %dma_wait3A_333 = arith.constant 0 : i32
    %dma_wait3A_334 = arith.constant 0 : i32
    %dma_wait3A_335 = tpu.memref_slice %arg4[%dma_wait3A_325, %dma_wait3A_333, %dma_wait3A_334] : memref<16x32x128xf32, #tpu.memory_space<vmem>> -> memref<1x32x128xf32, #tpu.memory_space<vmem>>
    %dma_wait3A_336 = tpu.memref_squeeze %dma_wait3A_335 : memref<1x32x128xf32, #tpu.memory_space<vmem>> -> memref<32x128xf32, #tpu.memory_space<vmem>>
    %dma_wait3A_337 = arith.constant 0 : i32
    %dma_wait3A_338 = tpu.memref_slice %arg2[%dma_wait3A_324, %multiple_of3A, %dma_wait3A_337] : memref<16x1000x128xf32, #tpu.memory_space<hbm>> -> memref<1x32x128xf32, #tpu.memory_space<hbm>>
    %dma_wait3A_339 = tpu.memref_squeeze %dma_wait3A_338 : memref<1x32x128xf32, #tpu.memory_space<hbm>> -> memref<32x128xf32, #tpu.memory_space<hbm>>
    tpu.wait_dma2 semaphore(%arg6 : memref<!tpu.dma_semaphore, #tpu.memory_space<semaphore_mem>>) src(%dma_wait3A_339 : memref<32x128xf32, #tpu.memory_space<hbm>>) dst(%dma_wait3A_336 : memref<32x128xf32, #tpu.memory_space<vmem>>)
    %dma_wait3A_340 = arith.constant 5 : i32
    %dma_wait3A_341 = arith.constant 5 : i32
    %dma_wait3A_342 = arith.constant 0 : i32
    %dma_wait3A_343 = arith.constant 0 : i32
    %dma_wait3A_344 = tpu.memref_slice %arg4[%dma_wait3A_341, %dma_wait3A_342, %dma_wait3A_343] : memref<16x32x128xf32, #tpu.memory_space<vmem>> -> memref<1x32x128xf32, #tpu.memory_space<vmem>>
    %dma_wait3A_345 = tpu.memref_squeeze %dma_wait3A_344 : memref<1x32x128xf32, #tpu.memory_space<vmem>> -> memref<32x128xf32, #tpu.memory_space<vmem>>
    %dma_wait3A_346 = arith.constant 0 : i32
    %dma_wait3A_347 = tpu.memref_slice %arg2[%dma_wait3A_340, %multiple_of3A, %dma_wait3A_346] : memref<16x1000x128xf32, #tpu.memory_space<hbm>> -> memref<1x32x128xf32, #tpu.memory_space<hbm>>
    %dma_wait3A_348 = tpu.memref_squeeze %dma_wait3A_347 : memref<1x32x128xf32, #tpu.memory_space<hbm>> -> memref<32x128xf32, #tpu.memory_space<hbm>>
    %dma_wait3A_349 = arith.constant 0 : i32
    %dma_wait3A_350 = arith.constant 0 : i32
    %dma_wait3A_351 = tpu.memref_slice %arg4[%dma_wait3A_341, %dma_wait3A_349, %dma_wait3A_350] : memref<16x32x128xf32, #tpu.memory_space<vmem>> -> memref<1x32x128xf32, #tpu.memory_space<vmem>>
    %dma_wait3A_352 = tpu.memref_squeeze %dma_wait3A_351 : memref<1x32x128xf32, #tpu.memory_space<vmem>> -> memref<32x128xf32, #tpu.memory_space<vmem>>
    %dma_wait3A_353 = arith.constant 0 : i32
    %dma_wait3A_354 = tpu.memref_slice %arg2[%dma_wait3A_340, %multiple_of3A, %dma_wait3A_353] : memref<16x1000x128xf32, #tpu.memory_space<hbm>> -> memref<1x32x128xf32, #tpu.memory_space<hbm>>
    %dma_wait3A_355 = tpu.memref_squeeze %dma_wait3A_354 : memref<1x32x128xf32, #tpu.memory_space<hbm>> -> memref<32x128xf32, #tpu.memory_space<hbm>>
    tpu.wait_dma2 semaphore(%arg6 : memref<!tpu.dma_semaphore, #tpu.memory_space<semaphore_mem>>) src(%dma_wait3A_355 : memref<32x128xf32, #tpu.memory_space<hbm>>) dst(%dma_wait3A_352 : memref<32x128xf32, #tpu.memory_space<vmem>>)
    %dma_wait3A_356 = arith.constant 6 : i32
    %dma_wait3A_357 = arith.constant 6 : i32
    %dma_wait3A_358 = arith.constant 0 : i32
    %dma_wait3A_359 = arith.constant 0 : i32
    %dma_wait3A_360 = tpu.memref_slice %arg4[%dma_wait3A_357, %dma_wait3A_358, %dma_wait3A_359] : memref<16x32x128xf32, #tpu.memory_space<vmem>> -> memref<1x32x128xf32, #tpu.memory_space<vmem>>
    %dma_wait3A_361 = tpu.memref_squeeze %dma_wait3A_360 : memref<1x32x128xf32, #tpu.memory_space<vmem>> -> memref<32x128xf32, #tpu.memory_space<vmem>>
    %dma_wait3A_362 = arith.constant 0 : i32
    %dma_wait3A_363 = tpu.memref_slice %arg2[%dma_wait3A_356, %multiple_of3A, %dma_wait3A_362] : memref<16x1000x128xf32, #tpu.memory_space<hbm>> -> memref<1x32x128xf32, #tpu.memory_space<hbm>>
    %dma_wait3A_364 = tpu.memref_squeeze %dma_wait3A_363 : memref<1x32x128xf32, #tpu.memory_space<hbm>> -> memref<32x128xf32, #tpu.memory_space<hbm>>
    %dma_wait3A_365 = arith.constant 0 : i32
    %dma_wait3A_366 = arith.constant 0 : i32
    %dma_wait3A_367 = tpu.memref_slice %arg4[%dma_wait3A_357, %dma_wait3A_365, %dma_wait3A_366] : memref<16x32x128xf32, #tpu.memory_space<vmem>> -> memref<1x32x128xf32, #tpu.memory_space<vmem>>
    %dma_wait3A_368 = tpu.memref_squeeze %dma_wait3A_367 : memref<1x32x128xf32, #tpu.memory_space<vmem>> -> memref<32x128xf32, #tpu.memory_space<vmem>>
    %dma_wait3A_369 = arith.constant 0 : i32
    %dma_wait3A_370 = tpu.memref_slice %arg2[%dma_wait3A_356, %multiple_of3A, %dma_wait3A_369] : memref<16x1000x128xf32, #tpu.memory_space<hbm>> -> memref<1x32x128xf32, #tpu.memory_space<hbm>>
    %dma_wait3A_371 = tpu.memref_squeeze %dma_wait3A_370 : memref<1x32x128xf32, #tpu.memory_space<hbm>> -> memref<32x128xf32, #tpu.memory_space<hbm>>
    tpu.wait_dma2 semaphore(%arg6 : memref<!tpu.dma_semaphore, #tpu.memory_space<semaphore_mem>>) src(%dma_wait3A_371 : memref<32x128xf32, #tpu.memory_space<hbm>>) dst(%dma_wait3A_368 : memref<32x128xf32, #tpu.memory_space<vmem>>)
    %dma_wait3A_372 = arith.constant 7 : i32
    %dma_wait3A_373 = arith.constant 7 : i32
    %dma_wait3A_374 = arith.constant 0 : i32
    %dma_wait3A_375 = arith.constant 0 : i32
    %dma_wait3A_376 = tpu.memref_slice %arg4[%dma_wait3A_373, %dma_wait3A_374, %dma_wait3A_375] : memref<16x32x128xf32, #tpu.memory_space<vmem>> -> memref<1x32x128xf32, #tpu.memory_space<vmem>>
    %dma_wait3A_377 = tpu.memref_squeeze %dma_wait3A_376 : memref<1x32x128xf32, #tpu.memory_space<vmem>> -> memref<32x128xf32, #tpu.memory_space<vmem>>
    %dma_wait3A_378 = arith.constant 0 : i32
    %dma_wait3A_379 = tpu.memref_slice %arg2[%dma_wait3A_372, %multiple_of3A, %dma_wait3A_378] : memref<16x1000x128xf32, #tpu.memory_space<hbm>> -> memref<1x32x128xf32, #tpu.memory_space<hbm>>
    %dma_wait3A_380 = tpu.memref_squeeze %dma_wait3A_379 : memref<1x32x128xf32, #tpu.memory_space<hbm>> -> memref<32x128xf32, #tpu.memory_space<hbm>>
    %dma_wait3A_381 = arith.constant 0 : i32
    %dma_wait3A_382 = arith.constant 0 : i32
    %dma_wait3A_383 = tpu.memref_slice %arg4[%dma_wait3A_373, %dma_wait3A_381, %dma_wait3A_382] : memref<16x32x128xf32, #tpu.memory_space<vmem>> -> memref<1x32x128xf32, #tpu.memory_space<vmem>>
    %dma_wait3A_384 = tpu.memref_squeeze %dma_wait3A_383 : memref<1x32x128xf32, #tpu.memory_space<vmem>> -> memref<32x128xf32, #tpu.memory_space<vmem>>
    %dma_wait3A_385 = arith.constant 0 : i32
    %dma_wait3A_386 = tpu.memref_slice %arg2[%dma_wait3A_372, %multiple_of3A, %dma_wait3A_385] : memref<16x1000x128xf32, #tpu.memory_space<hbm>> -> memref<1x32x128xf32, #tpu.memory_space<hbm>>
    %dma_wait3A_387 = tpu.memref_squeeze %dma_wait3A_386 : memref<1x32x128xf32, #tpu.memory_space<hbm>> -> memref<32x128xf32, #tpu.memory_space<hbm>>
    tpu.wait_dma2 semaphore(%arg6 : memref<!tpu.dma_semaphore, #tpu.memory_space<semaphore_mem>>) src(%dma_wait3A_387 : memref<32x128xf32, #tpu.memory_space<hbm>>) dst(%dma_wait3A_384 : memref<32x128xf32, #tpu.memory_space<vmem>>)
    %dma_wait3A_388 = arith.constant 8 : i32
    %dma_wait3A_389 = arith.constant 8 : i32
    %dma_wait3A_390 = arith.constant 0 : i32
    %dma_wait3A_391 = arith.constant 0 : i32
    %dma_wait3A_392 = tpu.memref_slice %arg4[%dma_wait3A_389, %dma_wait3A_390, %dma_wait3A_391] : memref<16x32x128xf32, #tpu.memory_space<vmem>> -> memref<1x32x128xf32, #tpu.memory_space<vmem>>
    %dma_wait3A_393 = tpu.memref_squeeze %dma_wait3A_392 : memref<1x32x128xf32, #tpu.memory_space<vmem>> -> memref<32x128xf32, #tpu.memory_space<vmem>>
    %dma_wait3A_394 = arith.constant 0 : i32
    %dma_wait3A_395 = tpu.memref_slice %arg2[%dma_wait3A_388, %multiple_of3A, %dma_wait3A_394] : memref<16x1000x128xf32, #tpu.memory_space<hbm>> -> memref<1x32x128xf32, #tpu.memory_space<hbm>>
    %dma_wait3A_396 = tpu.memref_squeeze %dma_wait3A_395 : memref<1x32x128xf32, #tpu.memory_space<hbm>> -> memref<32x128xf32, #tpu.memory_space<hbm>>
    %dma_wait3A_397 = arith.constant 0 : i32
    %dma_wait3A_398 = arith.constant 0 : i32
    %dma_wait3A_399 = tpu.memref_slice %arg4[%dma_wait3A_389, %dma_wait3A_397, %dma_wait3A_398] : memref<16x32x128xf32, #tpu.memory_space<vmem>> -> memref<1x32x128xf32, #tpu.memory_space<vmem>>
    %dma_wait3A_400 = tpu.memref_squeeze %dma_wait3A_399 : memref<1x32x128xf32, #tpu.memory_space<vmem>> -> memref<32x128xf32, #tpu.memory_space<vmem>>
    %dma_wait3A_401 = arith.constant 0 : i32
    %dma_wait3A_402 = tpu.memref_slice %arg2[%dma_wait3A_388, %multiple_of3A, %dma_wait3A_401] : memref<16x1000x128xf32, #tpu.memory_space<hbm>> -> memref<1x32x128xf32, #tpu.memory_space<hbm>>
    %dma_wait3A_403 = tpu.memref_squeeze %dma_wait3A_402 : memref<1x32x128xf32, #tpu.memory_space<hbm>> -> memref<32x128xf32, #tpu.memory_space<hbm>>
    tpu.wait_dma2 semaphore(%arg6 : memref<!tpu.dma_semaphore, #tpu.memory_space<semaphore_mem>>) src(%dma_wait3A_403 : memref<32x128xf32, #tpu.memory_space<hbm>>) dst(%dma_wait3A_400 : memref<32x128xf32, #tpu.memory_space<vmem>>)
    %dma_wait3A_404 = arith.constant 9 : i32
    %dma_wait3A_405 = arith.constant 9 : i32
    %dma_wait3A_406 = arith.constant 0 : i32
    %dma_wait3A_407 = arith.constant 0 : i32
    %dma_wait3A_408 = tpu.memref_slice %arg4[%dma_wait3A_405, %dma_wait3A_406, %dma_wait3A_407] : memref<16x32x128xf32, #tpu.memory_space<vmem>> -> memref<1x32x128xf32, #tpu.memory_space<vmem>>
    %dma_wait3A_409 = tpu.memref_squeeze %dma_wait3A_408 : memref<1x32x128xf32, #tpu.memory_space<vmem>> -> memref<32x128xf32, #tpu.memory_space<vmem>>
    %dma_wait3A_410 = arith.constant 0 : i32
    %dma_wait3A_411 = tpu.memref_slice %arg2[%dma_wait3A_404, %multiple_of3A, %dma_wait3A_410] : memref<16x1000x128xf32, #tpu.memory_space<hbm>> -> memref<1x32x128xf32, #tpu.memory_space<hbm>>
    %dma_wait3A_412 = tpu.memref_squeeze %dma_wait3A_411 : memref<1x32x128xf32, #tpu.memory_space<hbm>> -> memref<32x128xf32, #tpu.memory_space<hbm>>
    %dma_wait3A_413 = arith.constant 0 : i32
    %dma_wait3A_414 = arith.constant 0 : i32
    %dma_wait3A_415 = tpu.memref_slice %arg4[%dma_wait3A_405, %dma_wait3A_413, %dma_wait3A_414] : memref<16x32x128xf32, #tpu.memory_space<vmem>> -> memref<1x32x128xf32, #tpu.memory_space<vmem>>
    %dma_wait3A_416 = tpu.memref_squeeze %dma_wait3A_415 : memref<1x32x128xf32, #tpu.memory_space<vmem>> -> memref<32x128xf32, #tpu.memory_space<vmem>>
    %dma_wait3A_417 = arith.constant 0 : i32
    %dma_wait3A_418 = tpu.memref_slice %arg2[%dma_wait3A_404, %multiple_of3A, %dma_wait3A_417] : memref<16x1000x128xf32, #tpu.memory_space<hbm>> -> memref<1x32x128xf32, #tpu.memory_space<hbm>>
    %dma_wait3A_419 = tpu.memref_squeeze %dma_wait3A_418 : memref<1x32x128xf32, #tpu.memory_space<hbm>> -> memref<32x128xf32, #tpu.memory_space<hbm>>
    tpu.wait_dma2 semaphore(%arg6 : memref<!tpu.dma_semaphore, #tpu.memory_space<semaphore_mem>>) src(%dma_wait3A_419 : memref<32x128xf32, #tpu.memory_space<hbm>>) dst(%dma_wait3A_416 : memref<32x128xf32, #tpu.memory_space<vmem>>)
    %dma_wait3A_420 = arith.constant 10 : i32
    %dma_wait3A_421 = arith.constant 10 : i32
    %dma_wait3A_422 = arith.constant 0 : i32
    %dma_wait3A_423 = arith.constant 0 : i32
    %dma_wait3A_424 = tpu.memref_slice %arg4[%dma_wait3A_421, %dma_wait3A_422, %dma_wait3A_423] : memref<16x32x128xf32, #tpu.memory_space<vmem>> -> memref<1x32x128xf32, #tpu.memory_space<vmem>>
    %dma_wait3A_425 = tpu.memref_squeeze %dma_wait3A_424 : memref<1x32x128xf32, #tpu.memory_space<vmem>> -> memref<32x128xf32, #tpu.memory_space<vmem>>
    %dma_wait3A_426 = arith.constant 0 : i32
    %dma_wait3A_427 = tpu.memref_slice %arg2[%dma_wait3A_420, %multiple_of3A, %dma_wait3A_426] : memref<16x1000x128xf32, #tpu.memory_space<hbm>> -> memref<1x32x128xf32, #tpu.memory_space<hbm>>
    %dma_wait3A_428 = tpu.memref_squeeze %dma_wait3A_427 : memref<1x32x128xf32, #tpu.memory_space<hbm>> -> memref<32x128xf32, #tpu.memory_space<hbm>>
    %dma_wait3A_429 = arith.constant 0 : i32
    %dma_wait3A_430 = arith.constant 0 : i32
    %dma_wait3A_431 = tpu.memref_slice %arg4[%dma_wait3A_421, %dma_wait3A_429, %dma_wait3A_430] : memref<16x32x128xf32, #tpu.memory_space<vmem>> -> memref<1x32x128xf32, #tpu.memory_space<vmem>>
    %dma_wait3A_432 = tpu.memref_squeeze %dma_wait3A_431 : memref<1x32x128xf32, #tpu.memory_space<vmem>> -> memref<32x128xf32, #tpu.memory_space<vmem>>
    %dma_wait3A_433 = arith.constant 0 : i32
    %dma_wait3A_434 = tpu.memref_slice %arg2[%dma_wait3A_420, %multiple_of3A, %dma_wait3A_433] : memref<16x1000x128xf32, #tpu.memory_space<hbm>> -> memref<1x32x128xf32, #tpu.memory_space<hbm>>
    %dma_wait3A_435 = tpu.memref_squeeze %dma_wait3A_434 : memref<1x32x128xf32, #tpu.memory_space<hbm>> -> memref<32x128xf32, #tpu.memory_space<hbm>>
    tpu.wait_dma2 semaphore(%arg6 : memref<!tpu.dma_semaphore, #tpu.memory_space<semaphore_mem>>) src(%dma_wait3A_435 : memref<32x128xf32, #tpu.memory_space<hbm>>) dst(%dma_wait3A_432 : memref<32x128xf32, #tpu.memory_space<vmem>>)
    %dma_wait3A_436 = arith.constant 11 : i32
    %dma_wait3A_437 = arith.constant 11 : i32
    %dma_wait3A_438 = arith.constant 0 : i32
    %dma_wait3A_439 = arith.constant 0 : i32
    %dma_wait3A_440 = tpu.memref_slice %arg4[%dma_wait3A_437, %dma_wait3A_438, %dma_wait3A_439] : memref<16x32x128xf32, #tpu.memory_space<vmem>> -> memref<1x32x128xf32, #tpu.memory_space<vmem>>
    %dma_wait3A_441 = tpu.memref_squeeze %dma_wait3A_440 : memref<1x32x128xf32, #tpu.memory_space<vmem>> -> memref<32x128xf32, #tpu.memory_space<vmem>>
    %dma_wait3A_442 = arith.constant 0 : i32
    %dma_wait3A_443 = tpu.memref_slice %arg2[%dma_wait3A_436, %multiple_of3A, %dma_wait3A_442] : memref<16x1000x128xf32, #tpu.memory_space<hbm>> -> memref<1x32x128xf32, #tpu.memory_space<hbm>>
    %dma_wait3A_444 = tpu.memref_squeeze %dma_wait3A_443 : memref<1x32x128xf32, #tpu.memory_space<hbm>> -> memref<32x128xf32, #tpu.memory_space<hbm>>
    %dma_wait3A_445 = arith.constant 0 : i32
    %dma_wait3A_446 = arith.constant 0 : i32
    %dma_wait3A_447 = tpu.memref_slice %arg4[%dma_wait3A_437, %dma_wait3A_445, %dma_wait3A_446] : memref<16x32x128xf32, #tpu.memory_space<vmem>> -> memref<1x32x128xf32, #tpu.memory_space<vmem>>
    %dma_wait3A_448 = tpu.memref_squeeze %dma_wait3A_447 : memref<1x32x128xf32, #tpu.memory_space<vmem>> -> memref<32x128xf32, #tpu.memory_space<vmem>>
    %dma_wait3A_449 = arith.constant 0 : i32
    %dma_wait3A_450 = tpu.memref_slice %arg2[%dma_wait3A_436, %multiple_of3A, %dma_wait3A_449] : memref<16x1000x128xf32, #tpu.memory_space<hbm>> -> memref<1x32x128xf32, #tpu.memory_space<hbm>>
    %dma_wait3A_451 = tpu.memref_squeeze %dma_wait3A_450 : memref<1x32x128xf32, #tpu.memory_space<hbm>> -> memref<32x128xf32, #tpu.memory_space<hbm>>
    tpu.wait_dma2 semaphore(%arg6 : memref<!tpu.dma_semaphore, #tpu.memory_space<semaphore_mem>>) src(%dma_wait3A_451 : memref<32x128xf32, #tpu.memory_space<hbm>>) dst(%dma_wait3A_448 : memref<32x128xf32, #tpu.memory_space<vmem>>)
    %dma_wait3A_452 = arith.constant 12 : i32
    %dma_wait3A_453 = arith.constant 12 : i32
    %dma_wait3A_454 = arith.constant 0 : i32
    %dma_wait3A_455 = arith.constant 0 : i32
    %dma_wait3A_456 = tpu.memref_slice %arg4[%dma_wait3A_453, %dma_wait3A_454, %dma_wait3A_455] : memref<16x32x128xf32, #tpu.memory_space<vmem>> -> memref<1x32x128xf32, #tpu.memory_space<vmem>>
    %dma_wait3A_457 = tpu.memref_squeeze %dma_wait3A_456 : memref<1x32x128xf32, #tpu.memory_space<vmem>> -> memref<32x128xf32, #tpu.memory_space<vmem>>
    %dma_wait3A_458 = arith.constant 0 : i32
    %dma_wait3A_459 = tpu.memref_slice %arg2[%dma_wait3A_452, %multiple_of3A, %dma_wait3A_458] : memref<16x1000x128xf32, #tpu.memory_space<hbm>> -> memref<1x32x128xf32, #tpu.memory_space<hbm>>
    %dma_wait3A_460 = tpu.memref_squeeze %dma_wait3A_459 : memref<1x32x128xf32, #tpu.memory_space<hbm>> -> memref<32x128xf32, #tpu.memory_space<hbm>>
    %dma_wait3A_461 = arith.constant 0 : i32
    %dma_wait3A_462 = arith.constant 0 : i32
    %dma_wait3A_463 = tpu.memref_slice %arg4[%dma_wait3A_453, %dma_wait3A_461, %dma_wait3A_462] : memref<16x32x128xf32, #tpu.memory_space<vmem>> -> memref<1x32x128xf32, #tpu.memory_space<vmem>>
    %dma_wait3A_464 = tpu.memref_squeeze %dma_wait3A_463 : memref<1x32x128xf32, #tpu.memory_space<vmem>> -> memref<32x128xf32, #tpu.memory_space<vmem>>
    %dma_wait3A_465 = arith.constant 0 : i32
    %dma_wait3A_466 = tpu.memref_slice %arg2[%dma_wait3A_452, %multiple_of3A, %dma_wait3A_465] : memref<16x1000x128xf32, #tpu.memory_space<hbm>> -> memref<1x32x128xf32, #tpu.memory_space<hbm>>
    %dma_wait3A_467 = tpu.memref_squeeze %dma_wait3A_466 : memref<1x32x128xf32, #tpu.memory_space<hbm>> -> memref<32x128xf32, #tpu.memory_space<hbm>>
    tpu.wait_dma2 semaphore(%arg6 : memref<!tpu.dma_semaphore, #tpu.memory_space<semaphore_mem>>) src(%dma_wait3A_467 : memref<32x128xf32, #tpu.memory_space<hbm>>) dst(%dma_wait3A_464 : memref<32x128xf32, #tpu.memory_space<vmem>>)
    %dma_wait3A_468 = arith.constant 13 : i32
    %dma_wait3A_469 = arith.constant 13 : i32
    %dma_wait3A_470 = arith.constant 0 : i32
    %dma_wait3A_471 = arith.constant 0 : i32
    %dma_wait3A_472 = tpu.memref_slice %arg4[%dma_wait3A_469, %dma_wait3A_470, %dma_wait3A_471] : memref<16x32x128xf32, #tpu.memory_space<vmem>> -> memref<1x32x128xf32, #tpu.memory_space<vmem>>
    %dma_wait3A_473 = tpu.memref_squeeze %dma_wait3A_472 : memref<1x32x128xf32, #tpu.memory_space<vmem>> -> memref<32x128xf32, #tpu.memory_space<vmem>>
    %dma_wait3A_474 = arith.constant 0 : i32
    %dma_wait3A_475 = tpu.memref_slice %arg2[%dma_wait3A_468, %multiple_of3A, %dma_wait3A_474] : memref<16x1000x128xf32, #tpu.memory_space<hbm>> -> memref<1x32x128xf32, #tpu.memory_space<hbm>>
    %dma_wait3A_476 = tpu.memref_squeeze %dma_wait3A_475 : memref<1x32x128xf32, #tpu.memory_space<hbm>> -> memref<32x128xf32, #tpu.memory_space<hbm>>
    %dma_wait3A_477 = arith.constant 0 : i32
    %dma_wait3A_478 = arith.constant 0 : i32
    %dma_wait3A_479 = tpu.memref_slice %arg4[%dma_wait3A_469, %dma_wait3A_477, %dma_wait3A_478] : memref<16x32x128xf32, #tpu.memory_space<vmem>> -> memref<1x32x128xf32, #tpu.memory_space<vmem>>
    %dma_wait3A_480 = tpu.memref_squeeze %dma_wait3A_479 : memref<1x32x128xf32, #tpu.memory_space<vmem>> -> memref<32x128xf32, #tpu.memory_space<vmem>>
    %dma_wait3A_481 = arith.constant 0 : i32
    %dma_wait3A_482 = tpu.memref_slice %arg2[%dma_wait3A_468, %multiple_of3A, %dma_wait3A_481] : memref<16x1000x128xf32, #tpu.memory_space<hbm>> -> memref<1x32x128xf32, #tpu.memory_space<hbm>>
    %dma_wait3A_483 = tpu.memref_squeeze %dma_wait3A_482 : memref<1x32x128xf32, #tpu.memory_space<hbm>> -> memref<32x128xf32, #tpu.memory_space<hbm>>
    tpu.wait_dma2 semaphore(%arg6 : memref<!tpu.dma_semaphore, #tpu.memory_space<semaphore_mem>>) src(%dma_wait3A_483 : memref<32x128xf32, #tpu.memory_space<hbm>>) dst(%dma_wait3A_480 : memref<32x128xf32, #tpu.memory_space<vmem>>)
    %dma_wait3A_484 = arith.constant 14 : i32
    %dma_wait3A_485 = arith.constant 14 : i32
    %dma_wait3A_486 = arith.constant 0 : i32
    %dma_wait3A_487 = arith.constant 0 : i32
    %dma_wait3A_488 = tpu.memref_slice %arg4[%dma_wait3A_485, %dma_wait3A_486, %dma_wait3A_487] : memref<16x32x128xf32, #tpu.memory_space<vmem>> -> memref<1x32x128xf32, #tpu.memory_space<vmem>>
    %dma_wait3A_489 = tpu.memref_squeeze %dma_wait3A_488 : memref<1x32x128xf32, #tpu.memory_space<vmem>> -> memref<32x128xf32, #tpu.memory_space<vmem>>
    %dma_wait3A_490 = arith.constant 0 : i32
    %dma_wait3A_491 = tpu.memref_slice %arg2[%dma_wait3A_484, %multiple_of3A, %dma_wait3A_490] : memref<16x1000x128xf32, #tpu.memory_space<hbm>> -> memref<1x32x128xf32, #tpu.memory_space<hbm>>
    %dma_wait3A_492 = tpu.memref_squeeze %dma_wait3A_491 : memref<1x32x128xf32, #tpu.memory_space<hbm>> -> memref<32x128xf32, #tpu.memory_space<hbm>>
    %dma_wait3A_493 = arith.constant 0 : i32
    %dma_wait3A_494 = arith.constant 0 : i32
    %dma_wait3A_495 = tpu.memref_slice %arg4[%dma_wait3A_485, %dma_wait3A_493, %dma_wait3A_494] : memref<16x32x128xf32, #tpu.memory_space<vmem>> -> memref<1x32x128xf32, #tpu.memory_space<vmem>>
    %dma_wait3A_496 = tpu.memref_squeeze %dma_wait3A_495 : memref<1x32x128xf32, #tpu.memory_space<vmem>> -> memref<32x128xf32, #tpu.memory_space<vmem>>
    %dma_wait3A_497 = arith.constant 0 : i32
    %dma_wait3A_498 = tpu.memref_slice %arg2[%dma_wait3A_484, %multiple_of3A, %dma_wait3A_497] : memref<16x1000x128xf32, #tpu.memory_space<hbm>> -> memref<1x32x128xf32, #tpu.memory_space<hbm>>
    %dma_wait3A_499 = tpu.memref_squeeze %dma_wait3A_498 : memref<1x32x128xf32, #tpu.memory_space<hbm>> -> memref<32x128xf32, #tpu.memory_space<hbm>>
    tpu.wait_dma2 semaphore(%arg6 : memref<!tpu.dma_semaphore, #tpu.memory_space<semaphore_mem>>) src(%dma_wait3A_499 : memref<32x128xf32, #tpu.memory_space<hbm>>) dst(%dma_wait3A_496 : memref<32x128xf32, #tpu.memory_space<vmem>>)
    %dma_wait3A_500 = arith.constant 15 : i32
    %dma_wait3A_501 = arith.constant 15 : i32
    %dma_wait3A_502 = arith.constant 0 : i32
    %dma_wait3A_503 = arith.constant 0 : i32
    %dma_wait3A_504 = tpu.memref_slice %arg4[%dma_wait3A_501, %dma_wait3A_502, %dma_wait3A_503] : memref<16x32x128xf32, #tpu.memory_space<vmem>> -> memref<1x32x128xf32, #tpu.memory_space<vmem>>
    %dma_wait3A_505 = tpu.memref_squeeze %dma_wait3A_504 : memref<1x32x128xf32, #tpu.memory_space<vmem>> -> memref<32x128xf32, #tpu.memory_space<vmem>>
    %dma_wait3A_506 = arith.constant 0 : i32
    %dma_wait3A_507 = tpu.memref_slice %arg2[%dma_wait3A_500, %multiple_of3A, %dma_wait3A_506] : memref<16x1000x128xf32, #tpu.memory_space<hbm>> -> memref<1x32x128xf32, #tpu.memory_space<hbm>>
    %dma_wait3A_508 = tpu.memref_squeeze %dma_wait3A_507 : memref<1x32x128xf32, #tpu.memory_space<hbm>> -> memref<32x128xf32, #tpu.memory_space<hbm>>
    %dma_wait3A_509 = arith.constant 0 : i32
    %dma_wait3A_510 = arith.constant 0 : i32
    %dma_wait3A_511 = tpu.memref_slice %arg4[%dma_wait3A_501, %dma_wait3A_509, %dma_wait3A_510] : memref<16x32x128xf32, #tpu.memory_space<vmem>> -> memref<1x32x128xf32, #tpu.memory_space<vmem>>
    %dma_wait3A_512 = tpu.memref_squeeze %dma_wait3A_511 : memref<1x32x128xf32, #tpu.memory_space<vmem>> -> memref<32x128xf32, #tpu.memory_space<vmem>>
    %dma_wait3A_513 = arith.constant 0 : i32
    %dma_wait3A_514 = tpu.memref_slice %arg2[%dma_wait3A_500, %multiple_of3A, %dma_wait3A_513] : memref<16x1000x128xf32, #tpu.memory_space<hbm>> -> memref<1x32x128xf32, #tpu.memory_space<hbm>>
    %dma_wait3A_515 = tpu.memref_squeeze %dma_wait3A_514 : memref<1x32x128xf32, #tpu.memory_space<hbm>> -> memref<32x128xf32, #tpu.memory_space<hbm>>
    tpu.wait_dma2 semaphore(%arg6 : memref<!tpu.dma_semaphore, #tpu.memory_space<semaphore_mem>>) src(%dma_wait3A_515 : memref<32x128xf32, #tpu.memory_space<hbm>>) dst(%dma_wait3A_512 : memref<32x128xf32, #tpu.memory_space<vmem>>)
    %scan3A = arith.constant 0 : i32
    %scan3A_516 = arith.constant 0 : i32
    %scan3A_517 = arith.constant 32 : i32
    %scan3A_518 = arith.addi %scan3A_516, %scan3A_517 : i32
    %scan3A_519 = arith.constant 1 : i32
    scf.for %scan3A_521 = %scan3A_516 to %scan3A_518 step %scan3A_519  : i32 {
      %get3A = arith.constant 0 : i32
      %get3A_522 = arith.index_cast %get3A : i32 to index
      %get3A_523 = arith.index_cast %scan3A_521 : i32 to index
      %get3A_524 = arith.constant 0 : index
      %get3A_525 = tpu.vector_load %arg4[%get3A_522, %get3A_523, %get3A_524] {strides = array<i32>} : memref<16x32x128xf32, #tpu.memory_space<vmem>>, vector<1x1x16xf32>,
      %get3A_526 = vector.shape_cast %get3A_525 : vector<1x1x16xf32> to vector<16xf32>
      %get3A_527 = arith.constant 1 : i32
      %get3A_528 = arith.index_cast %get3A_527 : i32 to index
      %get3A_529 = arith.index_cast %scan3A_521 : i32 to index
      %get3A_530 = arith.constant 0 : index
      %get3A_531 = tpu.vector_load %arg4[%get3A_528, %get3A_529, %get3A_530] {strides = array<i32>} : memref<16x32x128xf32, #tpu.memory_space<vmem>>, vector<1x1x16xf32>,
      %get3A_532 = vector.shape_cast %get3A_531 : vector<1x1x16xf32> to vector<16xf32>
      %add3A_533 = arith.addf %get3A_526, %get3A_532 : vector<16xf32>
      %get3A_534 = arith.constant 2 : i32
      %get3A_535 = arith.index_cast %get3A_534 : i32 to index
      %get3A_536 = arith.index_cast %scan3A_521 : i32 to index
      %get3A_537 = arith.constant 0 : index
      %get3A_538 = tpu.vector_load %arg4[%get3A_535, %get3A_536, %get3A_537] {strides = array<i32>} : memref<16x32x128xf32, #tpu.memory_space<vmem>>, vector<1x1x16xf32>,
      %get3A_539 = vector.shape_cast %get3A_538 : vector<1x1x16xf32> to vector<16xf32>
      %get3A_540 = arith.constant 3 : i32
      %get3A_541 = arith.index_cast %get3A_540 : i32 to index
      %get3A_542 = arith.index_cast %scan3A_521 : i32 to index
      %get3A_543 = arith.constant 0 : index
      %get3A_544 = tpu.vector_load %arg4[%get3A_541, %get3A_542, %get3A_543] {strides = array<i32>} : memref<16x32x128xf32, #tpu.memory_space<vmem>>, vector<1x1x16xf32>,
      %get3A_545 = vector.shape_cast %get3A_544 : vector<1x1x16xf32> to vector<16xf32>
      %add3A_546 = arith.addf %get3A_539, %get3A_545 : vector<16xf32>
      %get3A_547 = arith.constant 4 : i32
      %get3A_548 = arith.index_cast %get3A_547 : i32 to index
      %get3A_549 = arith.index_cast %scan3A_521 : i32 to index
      %get3A_550 = arith.constant 0 : index
      %get3A_551 = tpu.vector_load %arg4[%get3A_548, %get3A_549, %get3A_550] {strides = array<i32>} : memref<16x32x128xf32, #tpu.memory_space<vmem>>, vector<1x1x16xf32>,
      %get3A_552 = vector.shape_cast %get3A_551 : vector<1x1x16xf32> to vector<16xf32>
      %get3A_553 = arith.constant 5 : i32
      %get3A_554 = arith.index_cast %get3A_553 : i32 to index
      %get3A_555 = arith.index_cast %scan3A_521 : i32 to index
      %get3A_556 = arith.constant 0 : index
      %get3A_557 = tpu.vector_load %arg4[%get3A_554, %get3A_555, %get3A_556] {strides = array<i32>} : memref<16x32x128xf32, #tpu.memory_space<vmem>>, vector<1x1x16xf32>,
      %get3A_558 = vector.shape_cast %get3A_557 : vector<1x1x16xf32> to vector<16xf32>
      %add3A_559 = arith.addf %get3A_552, %get3A_558 : vector<16xf32>
      %get3A_560 = arith.constant 6 : i32
      %get3A_561 = arith.index_cast %get3A_560 : i32 to index
      %get3A_562 = arith.index_cast %scan3A_521 : i32 to index
      %get3A_563 = arith.constant 0 : index
      %get3A_564 = tpu.vector_load %arg4[%get3A_561, %get3A_562, %get3A_563] {strides = array<i32>} : memref<16x32x128xf32, #tpu.memory_space<vmem>>, vector<1x1x16xf32>,
      %get3A_565 = vector.shape_cast %get3A_564 : vector<1x1x16xf32> to vector<16xf32>
      %get3A_566 = arith.constant 7 : i32
      %get3A_567 = arith.index_cast %get3A_566 : i32 to index
      %get3A_568 = arith.index_cast %scan3A_521 : i32 to index
      %get3A_569 = arith.constant 0 : index
      %get3A_570 = tpu.vector_load %arg4[%get3A_567, %get3A_568, %get3A_569] {strides = array<i32>} : memref<16x32x128xf32, #tpu.memory_space<vmem>>, vector<1x1x16xf32>,
      %get3A_571 = vector.shape_cast %get3A_570 : vector<1x1x16xf32> to vector<16xf32>
      %add3A_572 = arith.addf %get3A_565, %get3A_571 : vector<16xf32>
      %get3A_573 = arith.constant 8 : i32
      %get3A_574 = arith.index_cast %get3A_573 : i32 to index
      %get3A_575 = arith.index_cast %scan3A_521 : i32 to index
      %get3A_576 = arith.constant 0 : index
      %get3A_577 = tpu.vector_load %arg4[%get3A_574, %get3A_575, %get3A_576] {strides = array<i32>} : memref<16x32x128xf32, #tpu.memory_space<vmem>>, vector<1x1x16xf32>,
      %get3A_578 = vector.shape_cast %get3A_577 : vector<1x1x16xf32> to vector<16xf32>
      %add3A_579 = arith.addf %add3A_533, %get3A_578 : vector<16xf32>
      %get3A_580 = arith.constant 9 : i32
      %get3A_581 = arith.index_cast %get3A_580 : i32 to index
      %get3A_582 = arith.index_cast %scan3A_521 : i32 to index
      %get3A_583 = arith.constant 0 : index
      %get3A_584 = tpu.vector_load %arg4[%get3A_581, %get3A_582, %get3A_583] {strides = array<i32>} : memref<16x32x128xf32, #tpu.memory_space<vmem>>, vector<1x1x16xf32>,
      %get3A_585 = vector.shape_cast %get3A_584 : vector<1x1x16xf32> to vector<16xf32>
      %add3A_586 = arith.addf %add3A_579, %get3A_585 : vector<16xf32>
      %get3A_587 = arith.constant 10 : i32
      %get3A_588 = arith.index_cast %get3A_587 : i32 to index
      %get3A_589 = arith.index_cast %scan3A_521 : i32 to index
      %get3A_590 = arith.constant 0 : index
      %get3A_591 = tpu.vector_load %arg4[%get3A_588, %get3A_589, %get3A_590] {strides = array<i32>} : memref<16x32x128xf32, #tpu.memory_space<vmem>>, vector<1x1x16xf32>,
      %get3A_592 = vector.shape_cast %get3A_591 : vector<1x1x16xf32> to vector<16xf32>
      %add3A_593 = arith.addf %add3A_586, %get3A_592 : vector<16xf32>
      %get3A_594 = arith.constant 11 : i32
      %get3A_595 = arith.index_cast %get3A_594 : i32 to index
      %get3A_596 = arith.index_cast %scan3A_521 : i32 to index
      %get3A_597 = arith.constant 0 : index
      %get3A_598 = tpu.vector_load %arg4[%get3A_595, %get3A_596, %get3A_597] {strides = array<i32>} : memref<16x32x128xf32, #tpu.memory_space<vmem>>, vector<1x1x16xf32>,
      %get3A_599 = vector.shape_cast %get3A_598 : vector<1x1x16xf32> to vector<16xf32>
      %add3A_600 = arith.addf %add3A_593, %get3A_599 : vector<16xf32>
      %get3A_601 = arith.constant 12 : i32
      %get3A_602 = arith.index_cast %get3A_601 : i32 to index
      %get3A_603 = arith.index_cast %scan3A_521 : i32 to index
      %get3A_604 = arith.constant 0 : index
      %get3A_605 = tpu.vector_load %arg4[%get3A_602, %get3A_603, %get3A_604] {strides = array<i32>} : memref<16x32x128xf32, #tpu.memory_space<vmem>>, vector<1x1x16xf32>,
      %get3A_606 = vector.shape_cast %get3A_605 : vector<1x1x16xf32> to vector<16xf32>
      %add3A_607 = arith.addf %add3A_600, %get3A_606 : vector<16xf32>
      %get3A_608 = arith.constant 13 : i32
      %get3A_609 = arith.index_cast %get3A_608 : i32 to index
      %get3A_610 = arith.index_cast %scan3A_521 : i32 to index
      %get3A_611 = arith.constant 0 : index
      %get3A_612 = tpu.vector_load %arg4[%get3A_609, %get3A_610, %get3A_611] {strides = array<i32>} : memref<16x32x128xf32, #tpu.memory_space<vmem>>, vector<1x1x16xf32>,
      %get3A_613 = vector.shape_cast %get3A_612 : vector<1x1x16xf32> to vector<16xf32>
      %add3A_614 = arith.addf %add3A_607, %get3A_613 : vector<16xf32>
      %get3A_615 = arith.constant 14 : i32
      %get3A_616 = arith.index_cast %get3A_615 : i32 to index
      %get3A_617 = arith.index_cast %scan3A_521 : i32 to index
      %get3A_618 = arith.constant 0 : index
      %get3A_619 = tpu.vector_load %arg4[%get3A_616, %get3A_617, %get3A_618] {strides = array<i32>} : memref<16x32x128xf32, #tpu.memory_space<vmem>>, vector<1x1x16xf32>,
      %get3A_620 = vector.shape_cast %get3A_619 : vector<1x1x16xf32> to vector<16xf32>
      %add3A_621 = arith.addf %add3A_614, %get3A_620 : vector<16xf32>
      %get3A_622 = arith.constant 15 : i32
      %get3A_623 = arith.index_cast %get3A_622 : i32 to index
      %get3A_624 = arith.index_cast %scan3A_521 : i32 to index
      %get3A_625 = arith.constant 0 : index
      %get3A_626 = tpu.vector_load %arg4[%get3A_623, %get3A_624, %get3A_625] {strides = array<i32>} : memref<16x32x128xf32, #tpu.memory_space<vmem>>, vector<1x1x16xf32>,
      %get3A_627 = vector.shape_cast %get3A_626 : vector<1x1x16xf32> to vector<16xf32>
      %add3A_628 = arith.addf %add3A_621, %get3A_627 : vector<16xf32>
      %add3A_629 = arith.addf %add3A_628, %add3A_546 : vector<16xf32>
      %add3A_630 = arith.addf %add3A_559, %add3A_572 : vector<16xf32>
      %add3A_631 = arith.addf %add3A_629, %add3A_630 : vector<16xf32>
      %mul3A_632 = arith.constant 6.250000e-02 : f32
      %mul3A_633 = vector.broadcast %mul3A_632 : f32 to vector<16xf32>
      %mul3A_634 = arith.mulf %add3A_631, %mul3A_633 : vector<16xf32>
      %swap3A = arith.index_cast %scan3A_521 : i32 to index
      %swap3A_635 = arith.constant 0 : index
      %swap3A_636 = tpu.vector_load %arg5[%swap3A, %swap3A_635] {strides = array<i32>} : memref<32x128xf32, #tpu.memory_space<vmem>>, vector<1x16xf32>,
      %swap3A_637 = vector.shape_cast %swap3A_636 : vector<1x16xf32> to vector<16xf32>
      %swap3A_638 = vector.shape_cast %mul3A_634 : vector<16xf32> to vector<1x16xf32>
      tpu.vector_store %arg5[%swap3A, %swap3A_635], %swap3A_638 {strides = array<i32>} : memref<32x128xf32, #tpu.memory_space<vmem>>, vector<1x16xf32>,
      %get3A_639 = arith.constant 0 : i32
      %get3A_640 = arith.index_cast %get3A_639 : i32 to index
      %get3A_641 = arith.index_cast %scan3A_521 : i32 to index
      %get3A_642 = arith.constant 16 : index
      %get3A_643 = tpu.vector_load %arg4[%get3A_640, %get3A_641, %get3A_642] {strides = array<i32>} : memref<16x32x128xf32, #tpu.memory_space<vmem>>, vector<1x1x16xf32>,
      %get3A_644 = vector.shape_cast %get3A_643 : vector<1x1x16xf32> to vector<16xf32>
      %get3A_645 = arith.constant 1 : i32
      %get3A_646 = arith.index_cast %get3A_645 : i32 to index
      %get3A_647 = arith.index_cast %scan3A_521 : i32 to index
      %get3A_648 = arith.constant 16 : index
      %get3A_649 = tpu.vector_load %arg4[%get3A_646, %get3A_647, %get3A_648] {strides = array<i32>} : memref<16x32x128xf32, #tpu.memory_space<vmem>>, vector<1x1x16xf32>,
      %get3A_650 = vector.shape_cast %get3A_649 : vector<1x1x16xf32> to vector<16xf32>
      %add3A_651 = arith.addf %get3A_644, %get3A_650 : vector<16xf32>
      %get3A_652 = arith.constant 2 : i32
      %get3A_653 = arith.index_cast %get3A_652 : i32 to index
      %get3A_654 = arith.index_cast %scan3A_521 : i32 to index
      %get3A_655 = arith.constant 16 : index
      %get3A_656 = tpu.vector_load %arg4[%get3A_653, %get3A_654, %get3A_655] {strides = array<i32>} : memref<16x32x128xf32, #tpu.memory_space<vmem>>, vector<1x1x16xf32>,
      %get3A_657 = vector.shape_cast %get3A_656 : vector<1x1x16xf32> to vector<16xf32>
      %get3A_658 = arith.constant 3 : i32
      %get3A_659 = arith.index_cast %get3A_658 : i32 to index
      %get3A_660 = arith.index_cast %scan3A_521 : i32 to index
      %get3A_661 = arith.constant 16 : index
      %get3A_662 = tpu.vector_load %arg4[%get3A_659, %get3A_660, %get3A_661] {strides = array<i32>} : memref<16x32x128xf32, #tpu.memory_space<vmem>>, vector<1x1x16xf32>,
      %get3A_663 = vector.shape_cast %get3A_662 : vector<1x1x16xf32> to vector<16xf32>
      %add3A_664 = arith.addf %get3A_657, %get3A_663 : vector<16xf32>
      %get3A_665 = arith.constant 4 : i32
      %get3A_666 = arith.index_cast %get3A_665 : i32 to index
      %get3A_667 = arith.index_cast %scan3A_521 : i32 to index
      %get3A_668 = arith.constant 16 : index
      %get3A_669 = tpu.vector_load %arg4[%get3A_666, %get3A_667, %get3A_668] {strides = array<i32>} : memref<16x32x128xf32, #tpu.memory_space<vmem>>, vector<1x1x16xf32>,
      %get3A_670 = vector.shape_cast %get3A_669 : vector<1x1x16xf32> to vector<16xf32>
      %get3A_671 = arith.constant 5 : i32
      %get3A_672 = arith.index_cast %get3A_671 : i32 to index
      %get3A_673 = arith.index_cast %scan3A_521 : i32 to index
      %get3A_674 = arith.constant 16 : index
      %get3A_675 = tpu.vector_load %arg4[%get3A_672, %get3A_673, %get3A_674] {strides = array<i32>} : memref<16x32x128xf32, #tpu.memory_space<vmem>>, vector<1x1x16xf32>,
      %get3A_676 = vector.shape_cast %get3A_675 : vector<1x1x16xf32> to vector<16xf32>
      %add3A_677 = arith.addf %get3A_670, %get3A_676 : vector<16xf32>
      %get3A_678 = arith.constant 6 : i32
      %get3A_679 = arith.index_cast %get3A_678 : i32 to index
      %get3A_680 = arith.index_cast %scan3A_521 : i32 to index
      %get3A_681 = arith.constant 16 : index
      %get3A_682 = tpu.vector_load %arg4[%get3A_679, %get3A_680, %get3A_681] {strides = array<i32>} : memref<16x32x128xf32, #tpu.memory_space<vmem>>, vector<1x1x16xf32>,
      %get3A_683 = vector.shape_cast %get3A_682 : vector<1x1x16xf32> to vector<16xf32>
      %get3A_684 = arith.constant 7 : i32
      %get3A_685 = arith.index_cast %get3A_684 : i32 to index
      %get3A_686 = arith.index_cast %scan3A_521 : i32 to index
      %get3A_687 = arith.constant 16 : index
      %get3A_688 = tpu.vector_load %arg4[%get3A_685, %get3A_686, %get3A_687] {strides = array<i32>} : memref<16x32x128xf32, #tpu.memory_space<vmem>>, vector<1x1x16xf32>,
      %get3A_689 = vector.shape_cast %get3A_688 : vector<1x1x16xf32> to vector<16xf32>
      %add3A_690 = arith.addf %get3A_683, %get3A_689 : vector<16xf32>
      %get3A_691 = arith.constant 8 : i32
      %get3A_692 = arith.index_cast %get3A_691 : i32 to index
      %get3A_693 = arith.index_cast %scan3A_521 : i32 to index
      %get3A_694 = arith.constant 16 : index
      %get3A_695 = tpu.vector_load %arg4[%get3A_692, %get3A_693, %get3A_694] {strides = array<i32>} : memref<16x32x128xf32, #tpu.memory_space<vmem>>, vector<1x1x16xf32>,
      %get3A_696 = vector.shape_cast %get3A_695 : vector<1x1x16xf32> to vector<16xf32>
      %add3A_697 = arith.addf %add3A_651, %get3A_696 : vector<16xf32>
      %get3A_698 = arith.constant 9 : i32
      %get3A_699 = arith.index_cast %get3A_698 : i32 to index
      %get3A_700 = arith.index_cast %scan3A_521 : i32 to index
      %get3A_701 = arith.constant 16 : index
      %get3A_702 = tpu.vector_load %arg4[%get3A_699, %get3A_700, %get3A_701] {strides = array<i32>} : memref<16x32x128xf32, #tpu.memory_space<vmem>>, vector<1x1x16xf32>,
      %get3A_703 = vector.shape_cast %get3A_702 : vector<1x1x16xf32> to vector<16xf32>
      %add3A_704 = arith.addf %add3A_697, %get3A_703 : vector<16xf32>
      %get3A_705 = arith.constant 10 : i32
      %get3A_706 = arith.index_cast %get3A_705 : i32 to index
      %get3A_707 = arith.index_cast %scan3A_521 : i32 to index
      %get3A_708 = arith.constant 16 : index
      %get3A_709 = tpu.vector_load %arg4[%get3A_706, %get3A_707, %get3A_708] {strides = array<i32>} : memref<16x32x128xf32, #tpu.memory_space<vmem>>, vector<1x1x16xf32>,
      %get3A_710 = vector.shape_cast %get3A_709 : vector<1x1x16xf32> to vector<16xf32>
      %add3A_711 = arith.addf %add3A_704, %get3A_710 : vector<16xf32>
      %get3A_712 = arith.constant 11 : i32
      %get3A_713 = arith.index_cast %get3A_712 : i32 to index
      %get3A_714 = arith.index_cast %scan3A_521 : i32 to index
      %get3A_715 = arith.constant 16 : index
      %get3A_716 = tpu.vector_load %arg4[%get3A_713, %get3A_714, %get3A_715] {strides = array<i32>} : memref<16x32x128xf32, #tpu.memory_space<vmem>>, vector<1x1x16xf32>,
      %get3A_717 = vector.shape_cast %get3A_716 : vector<1x1x16xf32> to vector<16xf32>
      %add3A_718 = arith.addf %add3A_711, %get3A_717 : vector<16xf32>
      %get3A_719 = arith.constant 12 : i32
      %get3A_720 = arith.index_cast %get3A_719 : i32 to index
      %get3A_721 = arith.index_cast %scan3A_521 : i32 to index
      %get3A_722 = arith.constant 16 : index
      %get3A_723 = tpu.vector_load %arg4[%get3A_720, %get3A_721, %get3A_722] {strides = array<i32>} : memref<16x32x128xf32, #tpu.memory_space<vmem>>, vector<1x1x16xf32>,
      %get3A_724 = vector.shape_cast %get3A_723 : vector<1x1x16xf32> to vector<16xf32>
      %add3A_725 = arith.addf %add3A_718, %get3A_724 : vector<16xf32>
      %get3A_726 = arith.constant 13 : i32
      %get3A_727 = arith.index_cast %get3A_726 : i32 to index
      %get3A_728 = arith.index_cast %scan3A_521 : i32 to index
      %get3A_729 = arith.constant 16 : index
      %get3A_730 = tpu.vector_load %arg4[%get3A_727, %get3A_728, %get3A_729] {strides = array<i32>} : memref<16x32x128xf32, #tpu.memory_space<vmem>>, vector<1x1x16xf32>,
      %get3A_731 = vector.shape_cast %get3A_730 : vector<1x1x16xf32> to vector<16xf32>
      %add3A_732 = arith.addf %add3A_725, %get3A_731 : vector<16xf32>
      %get3A_733 = arith.constant 14 : i32
      %get3A_734 = arith.index_cast %get3A_733 : i32 to index
      %get3A_735 = arith.index_cast %scan3A_521 : i32 to index
      %get3A_736 = arith.constant 16 : index
      %get3A_737 = tpu.vector_load %arg4[%get3A_734, %get3A_735, %get3A_736] {strides = array<i32>} : memref<16x32x128xf32, #tpu.memory_space<vmem>>, vector<1x1x16xf32>,
      %get3A_738 = vector.shape_cast %get3A_737 : vector<1x1x16xf32> to vector<16xf32>
      %add3A_739 = arith.addf %add3A_732, %get3A_738 : vector<16xf32>
      %get3A_740 = arith.constant 15 : i32
      %get3A_741 = arith.index_cast %get3A_740 : i32 to index
      %get3A_742 = arith.index_cast %scan3A_521 : i32 to index
      %get3A_743 = arith.constant 16 : index
      %get3A_744 = tpu.vector_load %arg4[%get3A_741, %get3A_742, %get3A_743] {strides = array<i32>} : memref<16x32x128xf32, #tpu.memory_space<vmem>>, vector<1x1x16xf32>,
      %get3A_745 = vector.shape_cast %get3A_744 : vector<1x1x16xf32> to vector<16xf32>
      %add3A_746 = arith.addf %add3A_739, %get3A_745 : vector<16xf32>
      %add3A_747 = arith.addf %add3A_746, %add3A_664 : vector<16xf32>
      %add3A_748 = arith.addf %add3A_677, %add3A_690 : vector<16xf32>
      %add3A_749 = arith.addf %add3A_747, %add3A_748 : vector<16xf32>
      %mul3A_750 = arith.constant 6.250000e-02 : f32
      %mul3A_751 = vector.broadcast %mul3A_750 : f32 to vector<16xf32>
      %mul3A_752 = arith.mulf %add3A_749, %mul3A_751 : vector<16xf32>
      %swap3A_753 = arith.index_cast %scan3A_521 : i32 to index
      %swap3A_754 = arith.constant 16 : index
      %swap3A_755 = tpu.vector_load %arg5[%swap3A_753, %swap3A_754] {strides = array<i32>} : memref<32x128xf32, #tpu.memory_space<vmem>>, vector<1x16xf32>,
      %swap3A_756 = vector.shape_cast %swap3A_755 : vector<1x16xf32> to vector<16xf32>
      %swap3A_757 = vector.shape_cast %mul3A_752 : vector<16xf32> to vector<1x16xf32>
      tpu.vector_store %arg5[%swap3A_753, %swap3A_754], %swap3A_757 {strides = array<i32>} : memref<32x128xf32, #tpu.memory_space<vmem>>, vector<1x16xf32>,
      %get3A_758 = arith.constant 0 : i32
      %get3A_759 = arith.index_cast %get3A_758 : i32 to index
      %get3A_760 = arith.index_cast %scan3A_521 : i32 to index
      %get3A_761 = arith.constant 32 : index
      %get3A_762 = tpu.vector_load %arg4[%get3A_759, %get3A_760, %get3A_761] {strides = array<i32>} : memref<16x32x128xf32, #tpu.memory_space<vmem>>, vector<1x1x16xf32>,
      %get3A_763 = vector.shape_cast %get3A_762 : vector<1x1x16xf32> to vector<16xf32>
      %get3A_764 = arith.constant 1 : i32
      %get3A_765 = arith.index_cast %get3A_764 : i32 to index
      %get3A_766 = arith.index_cast %scan3A_521 : i32 to index
      %get3A_767 = arith.constant 32 : index
      %get3A_768 = tpu.vector_load %arg4[%get3A_765, %get3A_766, %get3A_767] {strides = array<i32>} : memref<16x32x128xf32, #tpu.memory_space<vmem>>, vector<1x1x16xf32>,
      %get3A_769 = vector.shape_cast %get3A_768 : vector<1x1x16xf32> to vector<16xf32>
      %add3A_770 = arith.addf %get3A_763, %get3A_769 : vector<16xf32>
      %get3A_771 = arith.constant 2 : i32
      %get3A_772 = arith.index_cast %get3A_771 : i32 to index
      %get3A_773 = arith.index_cast %scan3A_521 : i32 to index
      %get3A_774 = arith.constant 32 : index
      %get3A_775 = tpu.vector_load %arg4[%get3A_772, %get3A_773, %get3A_774] {strides = array<i32>} : memref<16x32x128xf32, #tpu.memory_space<vmem>>, vector<1x1x16xf32>,
      %get3A_776 = vector.shape_cast %get3A_775 : vector<1x1x16xf32> to vector<16xf32>
      %get3A_777 = arith.constant 3 : i32
      %get3A_778 = arith.index_cast %get3A_777 : i32 to index
      %get3A_779 = arith.index_cast %scan3A_521 : i32 to index
      %get3A_780 = arith.constant 32 : index
      %get3A_781 = tpu.vector_load %arg4[%get3A_778, %get3A_779, %get3A_780] {strides = array<i32>} : memref<16x32x128xf32, #tpu.memory_space<vmem>>, vector<1x1x16xf32>,
      %get3A_782 = vector.shape_cast %get3A_781 : vector<1x1x16xf32> to vector<16xf32>
      %add3A_783 = arith.addf %get3A_776, %get3A_782 : vector<16xf32>
      %get3A_784 = arith.constant 4 : i32
      %get3A_785 = arith.index_cast %get3A_784 : i32 to index
      %get3A_786 = arith.index_cast %scan3A_521 : i32 to index
      %get3A_787 = arith.constant 32 : index
      %get3A_788 = tpu.vector_load %arg4[%get3A_785, %get3A_786, %get3A_787] {strides = array<i32>} : memref<16x32x128xf32, #tpu.memory_space<vmem>>, vector<1x1x16xf32>,
      %get3A_789 = vector.shape_cast %get3A_788 : vector<1x1x16xf32> to vector<16xf32>
      %get3A_790 = arith.constant 5 : i32
      %get3A_791 = arith.index_cast %get3A_790 : i32 to index
      %get3A_792 = arith.index_cast %scan3A_521 : i32 to index
      %get3A_793 = arith.constant 32 : index
      %get3A_794 = tpu.vector_load %arg4[%get3A_791, %get3A_792, %get3A_793] {strides = array<i32>} : memref<16x32x128xf32, #tpu.memory_space<vmem>>, vector<1x1x16xf32>,
      %get3A_795 = vector.shape_cast %get3A_794 : vector<1x1x16xf32> to vector<16xf32>
      %add3A_796 = arith.addf %get3A_789, %get3A_795 : vector<16xf32>
      %get3A_797 = arith.constant 6 : i32
      %get3A_798 = arith.index_cast %get3A_797 : i32 to index
      %get3A_799 = arith.index_cast %scan3A_521 : i32 to index
      %get3A_800 = arith.constant 32 : index
      %get3A_801 = tpu.vector_load %arg4[%get3A_798, %get3A_799, %get3A_800] {strides = array<i32>} : memref<16x32x128xf32, #tpu.memory_space<vmem>>, vector<1x1x16xf32>,
      %get3A_802 = vector.shape_cast %get3A_801 : vector<1x1x16xf32> to vector<16xf32>
      %get3A_803 = arith.constant 7 : i32
      %get3A_804 = arith.index_cast %get3A_803 : i32 to index
      %get3A_805 = arith.index_cast %scan3A_521 : i32 to index
      %get3A_806 = arith.constant 32 : index
      %get3A_807 = tpu.vector_load %arg4[%get3A_804, %get3A_805, %get3A_806] {strides = array<i32>} : memref<16x32x128xf32, #tpu.memory_space<vmem>>, vector<1x1x16xf32>,
      %get3A_808 = vector.shape_cast %get3A_807 : vector<1x1x16xf32> to vector<16xf32>
      %add3A_809 = arith.addf %get3A_802, %get3A_808 : vector<16xf32>
      %get3A_810 = arith.constant 8 : i32
      %get3A_811 = arith.index_cast %get3A_810 : i32 to index
      %get3A_812 = arith.index_cast %scan3A_521 : i32 to index
      %get3A_813 = arith.constant 32 : index
      %get3A_814 = tpu.vector_load %arg4[%get3A_811, %get3A_812, %get3A_813] {strides = array<i32>} : memref<16x32x128xf32, #tpu.memory_space<vmem>>, vector<1x1x16xf32>,
      %get3A_815 = vector.shape_cast %get3A_814 : vector<1x1x16xf32> to vector<16xf32>
      %add3A_816 = arith.addf %add3A_770, %get3A_815 : vector<16xf32>
      %get3A_817 = arith.constant 9 : i32
      %get3A_818 = arith.index_cast %get3A_817 : i32 to index
      %get3A_819 = arith.index_cast %scan3A_521 : i32 to index
      %get3A_820 = arith.constant 32 : index
      %get3A_821 = tpu.vector_load %arg4[%get3A_818, %get3A_819, %get3A_820] {strides = array<i32>} : memref<16x32x128xf32, #tpu.memory_space<vmem>>, vector<1x1x16xf32>,
      %get3A_822 = vector.shape_cast %get3A_821 : vector<1x1x16xf32> to vector<16xf32>
      %add3A_823 = arith.addf %add3A_816, %get3A_822 : vector<16xf32>
      %get3A_824 = arith.constant 10 : i32
      %get3A_825 = arith.index_cast %get3A_824 : i32 to index
      %get3A_826 = arith.index_cast %scan3A_521 : i32 to index
      %get3A_827 = arith.constant 32 : index
      %get3A_828 = tpu.vector_load %arg4[%get3A_825, %get3A_826, %get3A_827] {strides = array<i32>} : memref<16x32x128xf32, #tpu.memory_space<vmem>>, vector<1x1x16xf32>,
      %get3A_829 = vector.shape_cast %get3A_828 : vector<1x1x16xf32> to vector<16xf32>
      %add3A_830 = arith.addf %add3A_823, %get3A_829 : vector<16xf32>
      %get3A_831 = arith.constant 11 : i32
      %get3A_832 = arith.index_cast %get3A_831 : i32 to index
      %get3A_833 = arith.index_cast %scan3A_521 : i32 to index
      %get3A_834 = arith.constant 32 : index
      %get3A_835 = tpu.vector_load %arg4[%get3A_832, %get3A_833, %get3A_834] {strides = array<i32>} : memref<16x32x128xf32, #tpu.memory_space<vmem>>, vector<1x1x16xf32>,
      %get3A_836 = vector.shape_cast %get3A_835 : vector<1x1x16xf32> to vector<16xf32>
      %add3A_837 = arith.addf %add3A_830, %get3A_836 : vector<16xf32>
      %get3A_838 = arith.constant 12 : i32
      %get3A_839 = arith.index_cast %get3A_838 : i32 to index
      %get3A_840 = arith.index_cast %scan3A_521 : i32 to index
      %get3A_841 = arith.constant 32 : index
      %get3A_842 = tpu.vector_load %arg4[%get3A_839, %get3A_840, %get3A_841] {strides = array<i32>} : memref<16x32x128xf32, #tpu.memory_space<vmem>>, vector<1x1x16xf32>,
      %get3A_843 = vector.shape_cast %get3A_842 : vector<1x1x16xf32> to vector<16xf32>
      %add3A_844 = arith.addf %add3A_837, %get3A_843 : vector<16xf32>
      %get3A_845 = arith.constant 13 : i32
      %get3A_846 = arith.index_cast %get3A_845 : i32 to index
      %get3A_847 = arith.index_cast %scan3A_521 : i32 to index
      %get3A_848 = arith.constant 32 : index
      %get3A_849 = tpu.vector_load %arg4[%get3A_846, %get3A_847, %get3A_848] {strides = array<i32>} : memref<16x32x128xf32, #tpu.memory_space<vmem>>, vector<1x1x16xf32>,
      %get3A_850 = vector.shape_cast %get3A_849 : vector<1x1x16xf32> to vector<16xf32>
      %add3A_851 = arith.addf %add3A_844, %get3A_850 : vector<16xf32>
      %get3A_852 = arith.constant 14 : i32
      %get3A_853 = arith.index_cast %get3A_852 : i32 to index
      %get3A_854 = arith.index_cast %scan3A_521 : i32 to index
      %get3A_855 = arith.constant 32 : index
      %get3A_856 = tpu.vector_load %arg4[%get3A_853, %get3A_854, %get3A_855] {strides = array<i32>} : memref<16x32x128xf32, #tpu.memory_space<vmem>>, vector<1x1x16xf32>,
      %get3A_857 = vector.shape_cast %get3A_856 : vector<1x1x16xf32> to vector<16xf32>
      %add3A_858 = arith.addf %add3A_851, %get3A_857 : vector<16xf32>
      %get3A_859 = arith.constant 15 : i32
      %get3A_860 = arith.index_cast %get3A_859 : i32 to index
      %get3A_861 = arith.index_cast %scan3A_521 : i32 to index
      %get3A_862 = arith.constant 32 : index
      %get3A_863 = tpu.vector_load %arg4[%get3A_860, %get3A_861, %get3A_862] {strides = array<i32>} : memref<16x32x128xf32, #tpu.memory_space<vmem>>, vector<1x1x16xf32>,
      %get3A_864 = vector.shape_cast %get3A_863 : vector<1x1x16xf32> to vector<16xf32>
      %add3A_865 = arith.addf %add3A_858, %get3A_864 : vector<16xf32>
      %add3A_866 = arith.addf %add3A_865, %add3A_783 : vector<16xf32>
      %add3A_867 = arith.addf %add3A_796, %add3A_809 : vector<16xf32>
      %add3A_868 = arith.addf %add3A_866, %add3A_867 : vector<16xf32>
      %mul3A_869 = arith.constant 6.250000e-02 : f32
      %mul3A_870 = vector.broadcast %mul3A_869 : f32 to vector<16xf32>
      %mul3A_871 = arith.mulf %add3A_868, %mul3A_870 : vector<16xf32>
      %swap3A_872 = arith.index_cast %scan3A_521 : i32 to index
      %swap3A_873 = arith.constant 32 : index
      %swap3A_874 = tpu.vector_load %arg5[%swap3A_872, %swap3A_873] {strides = array<i32>} : memref<32x128xf32, #tpu.memory_space<vmem>>, vector<1x16xf32>,
      %swap3A_875 = vector.shape_cast %swap3A_874 : vector<1x16xf32> to vector<16xf32>
      %swap3A_876 = vector.shape_cast %mul3A_871 : vector<16xf32> to vector<1x16xf32>
      tpu.vector_store %arg5[%swap3A_872, %swap3A_873], %swap3A_876 {strides = array<i32>} : memref<32x128xf32, #tpu.memory_space<vmem>>, vector<1x16xf32>,
      %get3A_877 = arith.constant 0 : i32
      %get3A_878 = arith.index_cast %get3A_877 : i32 to index
      %get3A_879 = arith.index_cast %scan3A_521 : i32 to index
      %get3A_880 = arith.constant 48 : index
      %get3A_881 = tpu.vector_load %arg4[%get3A_878, %get3A_879, %get3A_880] {strides = array<i32>} : memref<16x32x128xf32, #tpu.memory_space<vmem>>, vector<1x1x16xf32>,
      %get3A_882 = vector.shape_cast %get3A_881 : vector<1x1x16xf32> to vector<16xf32>
      %get3A_883 = arith.constant 1 : i32
      %get3A_884 = arith.index_cast %get3A_883 : i32 to index
      %get3A_885 = arith.index_cast %scan3A_521 : i32 to index
      %get3A_886 = arith.constant 48 : index
      %get3A_887 = tpu.vector_load %arg4[%get3A_884, %get3A_885, %get3A_886] {strides = array<i32>} : memref<16x32x128xf32, #tpu.memory_space<vmem>>, vector<1x1x16xf32>,
      %get3A_888 = vector.shape_cast %get3A_887 : vector<1x1x16xf32> to vector<16xf32>
      %add3A_889 = arith.addf %get3A_882, %get3A_888 : vector<16xf32>
      %get3A_890 = arith.constant 2 : i32
      %get3A_891 = arith.index_cast %get3A_890 : i32 to index
      %get3A_892 = arith.index_cast %scan3A_521 : i32 to index
      %get3A_893 = arith.constant 48 : index
      %get3A_894 = tpu.vector_load %arg4[%get3A_891, %get3A_892, %get3A_893] {strides = array<i32>} : memref<16x32x128xf32, #tpu.memory_space<vmem>>, vector<1x1x16xf32>,
      %get3A_895 = vector.shape_cast %get3A_894 : vector<1x1x16xf32> to vector<16xf32>
      %get3A_896 = arith.constant 3 : i32
      %get3A_897 = arith.index_cast %get3A_896 : i32 to index
      %get3A_898 = arith.index_cast %scan3A_521 : i32 to index
      %get3A_899 = arith.constant 48 : index
      %get3A_900 = tpu.vector_load %arg4[%get3A_897, %get3A_898, %get3A_899] {strides = array<i32>} : memref<16x32x128xf32, #tpu.memory_space<vmem>>, vector<1x1x16xf32>,
      %get3A_901 = vector.shape_cast %get3A_900 : vector<1x1x16xf32> to vector<16xf32>
      %add3A_902 = arith.addf %get3A_895, %get3A_901 : vector<16xf32>
      %get3A_903 = arith.constant 4 : i32
      %get3A_904 = arith.index_cast %get3A_903 : i32 to index
      %get3A_905 = arith.index_cast %scan3A_521 : i32 to index
      %get3A_906 = arith.constant 48 : index
      %get3A_907 = tpu.vector_load %arg4[%get3A_904, %get3A_905, %get3A_906] {strides = array<i32>} : memref<16x32x128xf32, #tpu.memory_space<vmem>>, vector<1x1x16xf32>,
      %get3A_908 = vector.shape_cast %get3A_907 : vector<1x1x16xf32> to vector<16xf32>
      %get3A_909 = arith.constant 5 : i32
      %get3A_910 = arith.index_cast %get3A_909 : i32 to index
      %get3A_911 = arith.index_cast %scan3A_521 : i32 to index
      %get3A_912 = arith.constant 48 : index
      %get3A_913 = tpu.vector_load %arg4[%get3A_910, %get3A_911, %get3A_912] {strides = array<i32>} : memref<16x32x128xf32, #tpu.memory_space<vmem>>, vector<1x1x16xf32>,
      %get3A_914 = vector.shape_cast %get3A_913 : vector<1x1x16xf32> to vector<16xf32>
      %add3A_915 = arith.addf %get3A_908, %get3A_914 : vector<16xf32>
      %get3A_916 = arith.constant 6 : i32
      %get3A_917 = arith.index_cast %get3A_916 : i32 to index
      %get3A_918 = arith.index_cast %scan3A_521 : i32 to index
      %get3A_919 = arith.constant 48 : index
      %get3A_920 = tpu.vector_load %arg4[%get3A_917, %get3A_918, %get3A_919] {strides = array<i32>} : memref<16x32x128xf32, #tpu.memory_space<vmem>>, vector<1x1x16xf32>,
      %get3A_921 = vector.shape_cast %get3A_920 : vector<1x1x16xf32> to vector<16xf32>
      %get3A_922 = arith.constant 7 : i32
      %get3A_923 = arith.index_cast %get3A_922 : i32 to index
      %get3A_924 = arith.index_cast %scan3A_521 : i32 to index
      %get3A_925 = arith.constant 48 : index
      %get3A_926 = tpu.vector_load %arg4[%get3A_923, %get3A_924, %get3A_925] {strides = array<i32>} : memref<16x32x128xf32, #tpu.memory_space<vmem>>, vector<1x1x16xf32>,
      %get3A_927 = vector.shape_cast %get3A_926 : vector<1x1x16xf32> to vector<16xf32>
      %add3A_928 = arith.addf %get3A_921, %get3A_927 : vector<16xf32>
      %get3A_929 = arith.constant 8 : i32
      %get3A_930 = arith.index_cast %get3A_929 : i32 to index
      %get3A_931 = arith.index_cast %scan3A_521 : i32 to index
      %get3A_932 = arith.constant 48 : index
      %get3A_933 = tpu.vector_load %arg4[%get3A_930, %get3A_931, %get3A_932] {strides = array<i32>} : memref<16x32x128xf32, #tpu.memory_space<vmem>>, vector<1x1x16xf32>,
      %get3A_934 = vector.shape_cast %get3A_933 : vector<1x1x16xf32> to vector<16xf32>
      %add3A_935 = arith.addf %add3A_889, %get3A_934 : vector<16xf32>
      %get3A_936 = arith.constant 9 : i32
      %get3A_937 = arith.index_cast %get3A_936 : i32 to index
      %get3A_938 = arith.index_cast %scan3A_521 : i32 to index
      %get3A_939 = arith.constant 48 : index
      %get3A_940 = tpu.vector_load %arg4[%get3A_937, %get3A_938, %get3A_939] {strides = array<i32>} : memref<16x32x128xf32, #tpu.memory_space<vmem>>, vector<1x1x16xf32>,
      %get3A_941 = vector.shape_cast %get3A_940 : vector<1x1x16xf32> to vector<16xf32>
      %add3A_942 = arith.addf %add3A_935, %get3A_941 : vector<16xf32>
      %get3A_943 = arith.constant 10 : i32
      %get3A_944 = arith.index_cast %get3A_943 : i32 to index
      %get3A_945 = arith.index_cast %scan3A_521 : i32 to index
      %get3A_946 = arith.constant 48 : index
      %get3A_947 = tpu.vector_load %arg4[%get3A_944, %get3A_945, %get3A_946] {strides = array<i32>} : memref<16x32x128xf32, #tpu.memory_space<vmem>>, vector<1x1x16xf32>,
      %get3A_948 = vector.shape_cast %get3A_947 : vector<1x1x16xf32> to vector<16xf32>
      %add3A_949 = arith.addf %add3A_942, %get3A_948 : vector<16xf32>
      %get3A_950 = arith.constant 11 : i32
      %get3A_951 = arith.index_cast %get3A_950 : i32 to index
      %get3A_952 = arith.index_cast %scan3A_521 : i32 to index
      %get3A_953 = arith.constant 48 : index
      %get3A_954 = tpu.vector_load %arg4[%get3A_951, %get3A_952, %get3A_953] {strides = array<i32>} : memref<16x32x128xf32, #tpu.memory_space<vmem>>, vector<1x1x16xf32>,
      %get3A_955 = vector.shape_cast %get3A_954 : vector<1x1x16xf32> to vector<16xf32>
      %add3A_956 = arith.addf %add3A_949, %get3A_955 : vector<16xf32>
      %get3A_957 = arith.constant 12 : i32
      %get3A_958 = arith.index_cast %get3A_957 : i32 to index
      %get3A_959 = arith.index_cast %scan3A_521 : i32 to index
      %get3A_960 = arith.constant 48 : index
      %get3A_961 = tpu.vector_load %arg4[%get3A_958, %get3A_959, %get3A_960] {strides = array<i32>} : memref<16x32x128xf32, #tpu.memory_space<vmem>>, vector<1x1x16xf32>,
      %get3A_962 = vector.shape_cast %get3A_961 : vector<1x1x16xf32> to vector<16xf32>
      %add3A_963 = arith.addf %add3A_956, %get3A_962 : vector<16xf32>
      %get3A_964 = arith.constant 13 : i32
      %get3A_965 = arith.index_cast %get3A_964 : i32 to index
      %get3A_966 = arith.index_cast %scan3A_521 : i32 to index
      %get3A_967 = arith.constant 48 : index
      %get3A_968 = tpu.vector_load %arg4[%get3A_965, %get3A_966, %get3A_967] {strides = array<i32>} : memref<16x32x128xf32, #tpu.memory_space<vmem>>, vector<1x1x16xf32>,
      %get3A_969 = vector.shape_cast %get3A_968 : vector<1x1x16xf32> to vector<16xf32>
      %add3A_970 = arith.addf %add3A_963, %get3A_969 : vector<16xf32>
      %get3A_971 = arith.constant 14 : i32
      %get3A_972 = arith.index_cast %get3A_971 : i32 to index
      %get3A_973 = arith.index_cast %scan3A_521 : i32 to index
      %get3A_974 = arith.constant 48 : index
      %get3A_975 = tpu.vector_load %arg4[%get3A_972, %get3A_973, %get3A_974] {strides = array<i32>} : memref<16x32x128xf32, #tpu.memory_space<vmem>>, vector<1x1x16xf32>,
      %get3A_976 = vector.shape_cast %get3A_975 : vector<1x1x16xf32> to vector<16xf32>
      %add3A_977 = arith.addf %add3A_970, %get3A_976 : vector<16xf32>
      %get3A_978 = arith.constant 15 : i32
      %get3A_979 = arith.index_cast %get3A_978 : i32 to index
      %get3A_980 = arith.index_cast %scan3A_521 : i32 to index
      %get3A_981 = arith.constant 48 : index
      %get3A_982 = tpu.vector_load %arg4[%get3A_979, %get3A_980, %get3A_981] {strides = array<i32>} : memref<16x32x128xf32, #tpu.memory_space<vmem>>, vector<1x1x16xf32>,
      %get3A_983 = vector.shape_cast %get3A_982 : vector<1x1x16xf32> to vector<16xf32>
      %add3A_984 = arith.addf %add3A_977, %get3A_983 : vector<16xf32>
      %add3A_985 = arith.addf %add3A_984, %add3A_902 : vector<16xf32>
      %add3A_986 = arith.addf %add3A_915, %add3A_928 : vector<16xf32>
      %add3A_987 = arith.addf %add3A_985, %add3A_986 : vector<16xf32>
      %mul3A_988 = arith.constant 6.250000e-02 : f32
      %mul3A_989 = vector.broadcast %mul3A_988 : f32 to vector<16xf32>
      %mul3A_990 = arith.mulf %add3A_987, %mul3A_989 : vector<16xf32>
      %swap3A_991 = arith.index_cast %scan3A_521 : i32 to index
      %swap3A_992 = arith.constant 48 : index
      %swap3A_993 = tpu.vector_load %arg5[%swap3A_991, %swap3A_992] {strides = array<i32>} : memref<32x128xf32, #tpu.memory_space<vmem>>, vector<1x16xf32>,
      %swap3A_994 = vector.shape_cast %swap3A_993 : vector<1x16xf32> to vector<16xf32>
      %swap3A_995 = vector.shape_cast %mul3A_990 : vector<16xf32> to vector<1x16xf32>
      tpu.vector_store %arg5[%swap3A_991, %swap3A_992], %swap3A_995 {strides = array<i32>} : memref<32x128xf32, #tpu.memory_space<vmem>>, vector<1x16xf32>,
      %get3A_996 = arith.constant 0 : i32
      %get3A_997 = arith.index_cast %get3A_996 : i32 to index
      %get3A_998 = arith.index_cast %scan3A_521 : i32 to index
      %get3A_999 = arith.constant 64 : index
      %get3A_1000 = tpu.vector_load %arg4[%get3A_997, %get3A_998, %get3A_999] {strides = array<i32>} : memref<16x32x128xf32, #tpu.memory_space<vmem>>, vector<1x1x16xf32>,
      %get3A_1001 = vector.shape_cast %get3A_1000 : vector<1x1x16xf32> to vector<16xf32>
      %get3A_1002 = arith.constant 1 : i32
      %get3A_1003 = arith.index_cast %get3A_1002 : i32 to index
      %get3A_1004 = arith.index_cast %scan3A_521 : i32 to index
      %get3A_1005 = arith.constant 64 : index
      %get3A_1006 = tpu.vector_load %arg4[%get3A_1003, %get3A_1004, %get3A_1005] {strides = array<i32>} : memref<16x32x128xf32, #tpu.memory_space<vmem>>, vector<1x1x16xf32>,
      %get3A_1007 = vector.shape_cast %get3A_1006 : vector<1x1x16xf32> to vector<16xf32>
      %add3A_1008 = arith.addf %get3A_1001, %get3A_1007 : vector<16xf32>
      %get3A_1009 = arith.constant 2 : i32
      %get3A_1010 = arith.index_cast %get3A_1009 : i32 to index
      %get3A_1011 = arith.index_cast %scan3A_521 : i32 to index
      %get3A_1012 = arith.constant 64 : index
      %get3A_1013 = tpu.vector_load %arg4[%get3A_1010, %get3A_1011, %get3A_1012] {strides = array<i32>} : memref<16x32x128xf32, #tpu.memory_space<vmem>>, vector<1x1x16xf32>,
      %get3A_1014 = vector.shape_cast %get3A_1013 : vector<1x1x16xf32> to vector<16xf32>
      %get3A_1015 = arith.constant 3 : i32
      %get3A_1016 = arith.index_cast %get3A_1015 : i32 to index
      %get3A_1017 = arith.index_cast %scan3A_521 : i32 to index
      %get3A_1018 = arith.constant 64 : index
      %get3A_1019 = tpu.vector_load %arg4[%get3A_1016, %get3A_1017, %get3A_1018] {strides = array<i32>} : memref<16x32x128xf32, #tpu.memory_space<vmem>>, vector<1x1x16xf32>,
      %get3A_1020 = vector.shape_cast %get3A_1019 : vector<1x1x16xf32> to vector<16xf32>
      %add3A_1021 = arith.addf %get3A_1014, %get3A_1020 : vector<16xf32>
      %get3A_1022 = arith.constant 4 : i32
      %get3A_1023 = arith.index_cast %get3A_1022 : i32 to index
      %get3A_1024 = arith.index_cast %scan3A_521 : i32 to index
      %get3A_1025 = arith.constant 64 : index
      %get3A_1026 = tpu.vector_load %arg4[%get3A_1023, %get3A_1024, %get3A_1025] {strides = array<i32>} : memref<16x32x128xf32, #tpu.memory_space<vmem>>, vector<1x1x16xf32>,
      %get3A_1027 = vector.shape_cast %get3A_1026 : vector<1x1x16xf32> to vector<16xf32>
      %get3A_1028 = arith.constant 5 : i32
      %get3A_1029 = arith.index_cast %get3A_1028 : i32 to index
      %get3A_1030 = arith.index_cast %scan3A_521 : i32 to index
      %get3A_1031 = arith.constant 64 : index
      %get3A_1032 = tpu.vector_load %arg4[%get3A_1029, %get3A_1030, %get3A_1031] {strides = array<i32>} : memref<16x32x128xf32, #tpu.memory_space<vmem>>, vector<1x1x16xf32>,
      %get3A_1033 = vector.shape_cast %get3A_1032 : vector<1x1x16xf32> to vector<16xf32>
      %add3A_1034 = arith.addf %get3A_1027, %get3A_1033 : vector<16xf32>
      %get3A_1035 = arith.constant 6 : i32
      %get3A_1036 = arith.index_cast %get3A_1035 : i32 to index
      %get3A_1037 = arith.index_cast %scan3A_521 : i32 to index
      %get3A_1038 = arith.constant 64 : index
      %get3A_1039 = tpu.vector_load %arg4[%get3A_1036, %get3A_1037, %get3A_1038] {strides = array<i32>} : memref<16x32x128xf32, #tpu.memory_space<vmem>>, vector<1x1x16xf32>,
      %get3A_1040 = vector.shape_cast %get3A_1039 : vector<1x1x16xf32> to vector<16xf32>
      %get3A_1041 = arith.constant 7 : i32
      %get3A_1042 = arith.index_cast %get3A_1041 : i32 to index
      %get3A_1043 = arith.index_cast %scan3A_521 : i32 to index
      %get3A_1044 = arith.constant 64 : index
      %get3A_1045 = tpu.vector_load %arg4[%get3A_1042, %get3A_1043, %get3A_1044] {strides = array<i32>} : memref<16x32x128xf32, #tpu.memory_space<vmem>>, vector<1x1x16xf32>,
      %get3A_1046 = vector.shape_cast %get3A_1045 : vector<1x1x16xf32> to vector<16xf32>
      %add3A_1047 = arith.addf %get3A_1040, %get3A_1046 : vector<16xf32>
      %get3A_1048 = arith.constant 8 : i32
      %get3A_1049 = arith.index_cast %get3A_1048 : i32 to index
      %get3A_1050 = arith.index_cast %scan3A_521 : i32 to index
      %get3A_1051 = arith.constant 64 : index
      %get3A_1052 = tpu.vector_load %arg4[%get3A_1049, %get3A_1050, %get3A_1051] {strides = array<i32>} : memref<16x32x128xf32, #tpu.memory_space<vmem>>, vector<1x1x16xf32>,
      %get3A_1053 = vector.shape_cast %get3A_1052 : vector<1x1x16xf32> to vector<16xf32>
      %add3A_1054 = arith.addf %add3A_1008, %get3A_1053 : vector<16xf32>
      %get3A_1055 = arith.constant 9 : i32
      %get3A_1056 = arith.index_cast %get3A_1055 : i32 to index
      %get3A_1057 = arith.index_cast %scan3A_521 : i32 to index
      %get3A_1058 = arith.constant 64 : index
      %get3A_1059 = tpu.vector_load %arg4[%get3A_1056, %get3A_1057, %get3A_1058] {strides = array<i32>} : memref<16x32x128xf32, #tpu.memory_space<vmem>>, vector<1x1x16xf32>,
      %get3A_1060 = vector.shape_cast %get3A_1059 : vector<1x1x16xf32> to vector<16xf32>
      %add3A_1061 = arith.addf %add3A_1054, %get3A_1060 : vector<16xf32>
      %get3A_1062 = arith.constant 10 : i32
      %get3A_1063 = arith.index_cast %get3A_1062 : i32 to index
      %get3A_1064 = arith.index_cast %scan3A_521 : i32 to index
      %get3A_1065 = arith.constant 64 : index
      %get3A_1066 = tpu.vector_load %arg4[%get3A_1063, %get3A_1064, %get3A_1065] {strides = array<i32>} : memref<16x32x128xf32, #tpu.memory_space<vmem>>, vector<1x1x16xf32>,
      %get3A_1067 = vector.shape_cast %get3A_1066 : vector<1x1x16xf32> to vector<16xf32>
      %add3A_1068 = arith.addf %add3A_1061, %get3A_1067 : vector<16xf32>
      %get3A_1069 = arith.constant 11 : i32
      %get3A_1070 = arith.index_cast %get3A_1069 : i32 to index
      %get3A_1071 = arith.index_cast %scan3A_521 : i32 to index
      %get3A_1072 = arith.constant 64 : index
      %get3A_1073 = tpu.vector_load %arg4[%get3A_1070, %get3A_1071, %get3A_1072] {strides = array<i32>} : memref<16x32x128xf32, #tpu.memory_space<vmem>>, vector<1x1x16xf32>,
      %get3A_1074 = vector.shape_cast %get3A_1073 : vector<1x1x16xf32> to vector<16xf32>
      %add3A_1075 = arith.addf %add3A_1068, %get3A_1074 : vector<16xf32>
      %get3A_1076 = arith.constant 12 : i32
      %get3A_1077 = arith.index_cast %get3A_1076 : i32 to index
      %get3A_1078 = arith.index_cast %scan3A_521 : i32 to index
      %get3A_1079 = arith.constant 64 : index
      %get3A_1080 = tpu.vector_load %arg4[%get3A_1077, %get3A_1078, %get3A_1079] {strides = array<i32>} : memref<16x32x128xf32, #tpu.memory_space<vmem>>, vector<1x1x16xf32>,
      %get3A_1081 = vector.shape_cast %get3A_1080 : vector<1x1x16xf32> to vector<16xf32>
      %add3A_1082 = arith.addf %add3A_1075, %get3A_1081 : vector<16xf32>
      %get3A_1083 = arith.constant 13 : i32
      %get3A_1084 = arith.index_cast %get3A_1083 : i32 to index
      %get3A_1085 = arith.index_cast %scan3A_521 : i32 to index
      %get3A_1086 = arith.constant 64 : index
      %get3A_1087 = tpu.vector_load %arg4[%get3A_1084, %get3A_1085, %get3A_1086] {strides = array<i32>} : memref<16x32x128xf32, #tpu.memory_space<vmem>>, vector<1x1x16xf32>,
      %get3A_1088 = vector.shape_cast %get3A_1087 : vector<1x1x16xf32> to vector<16xf32>
      %add3A_1089 = arith.addf %add3A_1082, %get3A_1088 : vector<16xf32>
      %get3A_1090 = arith.constant 14 : i32
      %get3A_1091 = arith.index_cast %get3A_1090 : i32 to index
      %get3A_1092 = arith.index_cast %scan3A_521 : i32 to index
      %get3A_1093 = arith.constant 64 : index
      %get3A_1094 = tpu.vector_load %arg4[%get3A_1091, %get3A_1092, %get3A_1093] {strides = array<i32>} : memref<16x32x128xf32, #tpu.memory_space<vmem>>, vector<1x1x16xf32>,
      %get3A_1095 = vector.shape_cast %get3A_1094 : vector<1x1x16xf32> to vector<16xf32>
      %add3A_1096 = arith.addf %add3A_1089, %get3A_1095 : vector<16xf32>
      %get3A_1097 = arith.constant 15 : i32
      %get3A_1098 = arith.index_cast %get3A_1097 : i32 to index
      %get3A_1099 = arith.index_cast %scan3A_521 : i32 to index
      %get3A_1100 = arith.constant 64 : index
      %get3A_1101 = tpu.vector_load %arg4[%get3A_1098, %get3A_1099, %get3A_1100] {strides = array<i32>} : memref<16x32x128xf32, #tpu.memory_space<vmem>>, vector<1x1x16xf32>,
      %get3A_1102 = vector.shape_cast %get3A_1101 : vector<1x1x16xf32> to vector<16xf32>
      %add3A_1103 = arith.addf %add3A_1096, %get3A_1102 : vector<16xf32>
      %add3A_1104 = arith.addf %add3A_1103, %add3A_1021 : vector<16xf32>
      %add3A_1105 = arith.addf %add3A_1034, %add3A_1047 : vector<16xf32>
      %add3A_1106 = arith.addf %add3A_1104, %add3A_1105 : vector<16xf32>
      %mul3A_1107 = arith.constant 6.250000e-02 : f32
      %mul3A_1108 = vector.broadcast %mul3A_1107 : f32 to vector<16xf32>
      %mul3A_1109 = arith.mulf %add3A_1106, %mul3A_1108 : vector<16xf32>
      %swap3A_1110 = arith.index_cast %scan3A_521 : i32 to index
      %swap3A_1111 = arith.constant 64 : index
      %swap3A_1112 = tpu.vector_load %arg5[%swap3A_1110, %swap3A_1111] {strides = array<i32>} : memref<32x128xf32, #tpu.memory_space<vmem>>, vector<1x16xf32>,
      %swap3A_1113 = vector.shape_cast %swap3A_1112 : vector<1x16xf32> to vector<16xf32>
      %swap3A_1114 = vector.shape_cast %mul3A_1109 : vector<16xf32> to vector<1x16xf32>
      tpu.vector_store %arg5[%swap3A_1110, %swap3A_1111], %swap3A_1114 {strides = array<i32>} : memref<32x128xf32, #tpu.memory_space<vmem>>, vector<1x16xf32>,
      %get3A_1115 = arith.constant 0 : i32
      %get3A_1116 = arith.index_cast %get3A_1115 : i32 to index
      %get3A_1117 = arith.index_cast %scan3A_521 : i32 to index
      %get3A_1118 = arith.constant 80 : index
      %get3A_1119 = tpu.vector_load %arg4[%get3A_1116, %get3A_1117, %get3A_1118] {strides = array<i32>} : memref<16x32x128xf32, #tpu.memory_space<vmem>>, vector<1x1x16xf32>,
      %get3A_1120 = vector.shape_cast %get3A_1119 : vector<1x1x16xf32> to vector<16xf32>
      %get3A_1121 = arith.constant 1 : i32
      %get3A_1122 = arith.index_cast %get3A_1121 : i32 to index
      %get3A_1123 = arith.index_cast %scan3A_521 : i32 to index
      %get3A_1124 = arith.constant 80 : index
      %get3A_1125 = tpu.vector_load %arg4[%get3A_1122, %get3A_1123, %get3A_1124] {strides = array<i32>} : memref<16x32x128xf32, #tpu.memory_space<vmem>>, vector<1x1x16xf32>,
      %get3A_1126 = vector.shape_cast %get3A_1125 : vector<1x1x16xf32> to vector<16xf32>
      %add3A_1127 = arith.addf %get3A_1120, %get3A_1126 : vector<16xf32>
      %get3A_1128 = arith.constant 2 : i32
      %get3A_1129 = arith.index_cast %get3A_1128 : i32 to index
      %get3A_1130 = arith.index_cast %scan3A_521 : i32 to index
      %get3A_1131 = arith.constant 80 : index
      %get3A_1132 = tpu.vector_load %arg4[%get3A_1129, %get3A_1130, %get3A_1131] {strides = array<i32>} : memref<16x32x128xf32, #tpu.memory_space<vmem>>, vector<1x1x16xf32>,
      %get3A_1133 = vector.shape_cast %get3A_1132 : vector<1x1x16xf32> to vector<16xf32>
      %get3A_1134 = arith.constant 3 : i32
      %get3A_1135 = arith.index_cast %get3A_1134 : i32 to index
      %get3A_1136 = arith.index_cast %scan3A_521 : i32 to index
      %get3A_1137 = arith.constant 80 : index
      %get3A_1138 = tpu.vector_load %arg4[%get3A_1135, %get3A_1136, %get3A_1137] {strides = array<i32>} : memref<16x32x128xf32, #tpu.memory_space<vmem>>, vector<1x1x16xf32>,
      %get3A_1139 = vector.shape_cast %get3A_1138 : vector<1x1x16xf32> to vector<16xf32>
      %add3A_1140 = arith.addf %get3A_1133, %get3A_1139 : vector<16xf32>
      %get3A_1141 = arith.constant 4 : i32
      %get3A_1142 = arith.index_cast %get3A_1141 : i32 to index
      %get3A_1143 = arith.index_cast %scan3A_521 : i32 to index
      %get3A_1144 = arith.constant 80 : index
      %get3A_1145 = tpu.vector_load %arg4[%get3A_1142, %get3A_1143, %get3A_1144] {strides = array<i32>} : memref<16x32x128xf32, #tpu.memory_space<vmem>>, vector<1x1x16xf32>,
      %get3A_1146 = vector.shape_cast %get3A_1145 : vector<1x1x16xf32> to vector<16xf32>
      %get3A_1147 = arith.constant 5 : i32
      %get3A_1148 = arith.index_cast %get3A_1147 : i32 to index
      %get3A_1149 = arith.index_cast %scan3A_521 : i32 to index
      %get3A_1150 = arith.constant 80 : index
      %get3A_1151 = tpu.vector_load %arg4[%get3A_1148, %get3A_1149, %get3A_1150] {strides = array<i32>} : memref<16x32x128xf32, #tpu.memory_space<vmem>>, vector<1x1x16xf32>,
      %get3A_1152 = vector.shape_cast %get3A_1151 : vector<1x1x16xf32> to vector<16xf32>
      %add3A_1153 = arith.addf %get3A_1146, %get3A_1152 : vector<16xf32>
      %get3A_1154 = arith.constant 6 : i32
      %get3A_1155 = arith.index_cast %get3A_1154 : i32 to index
      %get3A_1156 = arith.index_cast %scan3A_521 : i32 to index
      %get3A_1157 = arith.constant 80 : index
      %get3A_1158 = tpu.vector_load %arg4[%get3A_1155, %get3A_1156, %get3A_1157] {strides = array<i32>} : memref<16x32x128xf32, #tpu.memory_space<vmem>>, vector<1x1x16xf32>,
      %get3A_1159 = vector.shape_cast %get3A_1158 : vector<1x1x16xf32> to vector<16xf32>
      %get3A_1160 = arith.constant 7 : i32
      %get3A_1161 = arith.index_cast %get3A_1160 : i32 to index
      %get3A_1162 = arith.index_cast %scan3A_521 : i32 to index
      %get3A_1163 = arith.constant 80 : index
      %get3A_1164 = tpu.vector_load %arg4[%get3A_1161, %get3A_1162, %get3A_1163] {strides = array<i32>} : memref<16x32x128xf32, #tpu.memory_space<vmem>>, vector<1x1x16xf32>,
      %get3A_1165 = vector.shape_cast %get3A_1164 : vector<1x1x16xf32> to vector<16xf32>
      %add3A_1166 = arith.addf %get3A_1159, %get3A_1165 : vector<16xf32>
      %get3A_1167 = arith.constant 8 : i32
      %get3A_1168 = arith.index_cast %get3A_1167 : i32 to index
      %get3A_1169 = arith.index_cast %scan3A_521 : i32 to index
      %get3A_1170 = arith.constant 80 : index
      %get3A_1171 = tpu.vector_load %arg4[%get3A_1168, %get3A_1169, %get3A_1170] {strides = array<i32>} : memref<16x32x128xf32, #tpu.memory_space<vmem>>, vector<1x1x16xf32>,
      %get3A_1172 = vector.shape_cast %get3A_1171 : vector<1x1x16xf32> to vector<16xf32>
      %add3A_1173 = arith.addf %add3A_1127, %get3A_1172 : vector<16xf32>
      %get3A_1174 = arith.constant 9 : i32
      %get3A_1175 = arith.index_cast %get3A_1174 : i32 to index
      %get3A_1176 = arith.index_cast %scan3A_521 : i32 to index
      %get3A_1177 = arith.constant 80 : index
      %get3A_1178 = tpu.vector_load %arg4[%get3A_1175, %get3A_1176, %get3A_1177] {strides = array<i32>} : memref<16x32x128xf32, #tpu.memory_space<vmem>>, vector<1x1x16xf32>,
      %get3A_1179 = vector.shape_cast %get3A_1178 : vector<1x1x16xf32> to vector<16xf32>
      %add3A_1180 = arith.addf %add3A_1173, %get3A_1179 : vector<16xf32>
      %get3A_1181 = arith.constant 10 : i32
      %get3A_1182 = arith.index_cast %get3A_1181 : i32 to index
      %get3A_1183 = arith.index_cast %scan3A_521 : i32 to index
      %get3A_1184 = arith.constant 80 : index
      %get3A_1185 = tpu.vector_load %arg4[%get3A_1182, %get3A_1183, %get3A_1184] {strides = array<i32>} : memref<16x32x128xf32, #tpu.memory_space<vmem>>, vector<1x1x16xf32>,
      %get3A_1186 = vector.shape_cast %get3A_1185 : vector<1x1x16xf32> to vector<16xf32>
      %add3A_1187 = arith.addf %add3A_1180, %get3A_1186 : vector<16xf32>
      %get3A_1188 = arith.constant 11 : i32
      %get3A_1189 = arith.index_cast %get3A_1188 : i32 to index
      %get3A_1190 = arith.index_cast %scan3A_521 : i32 to index
      %get3A_1191 = arith.constant 80 : index
      %get3A_1192 = tpu.vector_load %arg4[%get3A_1189, %get3A_1190, %get3A_1191] {strides = array<i32>} : memref<16x32x128xf32, #tpu.memory_space<vmem>>, vector<1x1x16xf32>,
      %get3A_1193 = vector.shape_cast %get3A_1192 : vector<1x1x16xf32> to vector<16xf32>
      %add3A_1194 = arith.addf %add3A_1187, %get3A_1193 : vector<16xf32>
      %get3A_1195 = arith.constant 12 : i32
      %get3A_1196 = arith.index_cast %get3A_1195 : i32 to index
      %get3A_1197 = arith.index_cast %scan3A_521 : i32 to index
      %get3A_1198 = arith.constant 80 : index
      %get3A_1199 = tpu.vector_load %arg4[%get3A_1196, %get3A_1197, %get3A_1198] {strides = array<i32>} : memref<16x32x128xf32, #tpu.memory_space<vmem>>, vector<1x1x16xf32>,
      %get3A_1200 = vector.shape_cast %get3A_1199 : vector<1x1x16xf32> to vector<16xf32>
      %add3A_1201 = arith.addf %add3A_1194, %get3A_1200 : vector<16xf32>
      %get3A_1202 = arith.constant 13 : i32
      %get3A_1203 = arith.index_cast %get3A_1202 : i32 to index
      %get3A_1204 = arith.index_cast %scan3A_521 : i32 to index
      %get3A_1205 = arith.constant 80 : index
      %get3A_1206 = tpu.vector_load %arg4[%get3A_1203, %get3A_1204, %get3A_1205] {strides = array<i32>} : memref<16x32x128xf32, #tpu.memory_space<vmem>>, vector<1x1x16xf32>,
      %get3A_1207 = vector.shape_cast %get3A_1206 : vector<1x1x16xf32> to vector<16xf32>
      %add3A_1208 = arith.addf %add3A_1201, %get3A_1207 : vector<16xf32>
      %get3A_1209 = arith.constant 14 : i32
      %get3A_1210 = arith.index_cast %get3A_1209 : i32 to index
      %get3A_1211 = arith.index_cast %scan3A_521 : i32 to index
      %get3A_1212 = arith.constant 80 : index
      %get3A_1213 = tpu.vector_load %arg4[%get3A_1210, %get3A_1211, %get3A_1212] {strides = array<i32>} : memref<16x32x128xf32, #tpu.memory_space<vmem>>, vector<1x1x16xf32>,
      %get3A_1214 = vector.shape_cast %get3A_1213 : vector<1x1x16xf32> to vector<16xf32>
      %add3A_1215 = arith.addf %add3A_1208, %get3A_1214 : vector<16xf32>
      %get3A_1216 = arith.constant 15 : i32
      %get3A_1217 = arith.index_cast %get3A_1216 : i32 to index
      %get3A_1218 = arith.index_cast %scan3A_521 : i32 to index
      %get3A_1219 = arith.constant 80 : index
      %get3A_1220 = tpu.vector_load %arg4[%get3A_1217, %get3A_1218, %get3A_1219] {strides = array<i32>} : memref<16x32x128xf32, #tpu.memory_space<vmem>>, vector<1x1x16xf32>,
      %get3A_1221 = vector.shape_cast %get3A_1220 : vector<1x1x16xf32> to vector<16xf32>
      %add3A_1222 = arith.addf %add3A_1215, %get3A_1221 : vector<16xf32>
      %add3A_1223 = arith.addf %add3A_1222, %add3A_1140 : vector<16xf32>
      %add3A_1224 = arith.addf %add3A_1153, %add3A_1166 : vector<16xf32>
      %add3A_1225 = arith.addf %add3A_1223, %add3A_1224 : vector<16xf32>
      %mul3A_1226 = arith.constant 6.250000e-02 : f32
      %mul3A_1227 = vector.broadcast %mul3A_1226 : f32 to vector<16xf32>
      %mul3A_1228 = arith.mulf %add3A_1225, %mul3A_1227 : vector<16xf32>
      %swap3A_1229 = arith.index_cast %scan3A_521 : i32 to index
      %swap3A_1230 = arith.constant 80 : index
      %swap3A_1231 = tpu.vector_load %arg5[%swap3A_1229, %swap3A_1230] {strides = array<i32>} : memref<32x128xf32, #tpu.memory_space<vmem>>, vector<1x16xf32>,
      %swap3A_1232 = vector.shape_cast %swap3A_1231 : vector<1x16xf32> to vector<16xf32>
      %swap3A_1233 = vector.shape_cast %mul3A_1228 : vector<16xf32> to vector<1x16xf32>
      tpu.vector_store %arg5[%swap3A_1229, %swap3A_1230], %swap3A_1233 {strides = array<i32>} : memref<32x128xf32, #tpu.memory_space<vmem>>, vector<1x16xf32>,
      %get3A_1234 = arith.constant 0 : i32
      %get3A_1235 = arith.index_cast %get3A_1234 : i32 to index
      %get3A_1236 = arith.index_cast %scan3A_521 : i32 to index
      %get3A_1237 = arith.constant 96 : index
      %get3A_1238 = tpu.vector_load %arg4[%get3A_1235, %get3A_1236, %get3A_1237] {strides = array<i32>} : memref<16x32x128xf32, #tpu.memory_space<vmem>>, vector<1x1x16xf32>,
      %get3A_1239 = vector.shape_cast %get3A_1238 : vector<1x1x16xf32> to vector<16xf32>
      %get3A_1240 = arith.constant 1 : i32
      %get3A_1241 = arith.index_cast %get3A_1240 : i32 to index
      %get3A_1242 = arith.index_cast %scan3A_521 : i32 to index
      %get3A_1243 = arith.constant 96 : index
      %get3A_1244 = tpu.vector_load %arg4[%get3A_1241, %get3A_1242, %get3A_1243] {strides = array<i32>} : memref<16x32x128xf32, #tpu.memory_space<vmem>>, vector<1x1x16xf32>,
      %get3A_1245 = vector.shape_cast %get3A_1244 : vector<1x1x16xf32> to vector<16xf32>
      %add3A_1246 = arith.addf %get3A_1239, %get3A_1245 : vector<16xf32>
      %get3A_1247 = arith.constant 2 : i32
      %get3A_1248 = arith.index_cast %get3A_1247 : i32 to index
      %get3A_1249 = arith.index_cast %scan3A_521 : i32 to index
      %get3A_1250 = arith.constant 96 : index
      %get3A_1251 = tpu.vector_load %arg4[%get3A_1248, %get3A_1249, %get3A_1250] {strides = array<i32>} : memref<16x32x128xf32, #tpu.memory_space<vmem>>, vector<1x1x16xf32>,
      %get3A_1252 = vector.shape_cast %get3A_1251 : vector<1x1x16xf32> to vector<16xf32>
      %get3A_1253 = arith.constant 3 : i32
      %get3A_1254 = arith.index_cast %get3A_1253 : i32 to index
      %get3A_1255 = arith.index_cast %scan3A_521 : i32 to index
      %get3A_1256 = arith.constant 96 : index
      %get3A_1257 = tpu.vector_load %arg4[%get3A_1254, %get3A_1255, %get3A_1256] {strides = array<i32>} : memref<16x32x128xf32, #tpu.memory_space<vmem>>, vector<1x1x16xf32>,
      %get3A_1258 = vector.shape_cast %get3A_1257 : vector<1x1x16xf32> to vector<16xf32>
      %add3A_1259 = arith.addf %get3A_1252, %get3A_1258 : vector<16xf32>
      %get3A_1260 = arith.constant 4 : i32
      %get3A_1261 = arith.index_cast %get3A_1260 : i32 to index
      %get3A_1262 = arith.index_cast %scan3A_521 : i32 to index
      %get3A_1263 = arith.constant 96 : index
      %get3A_1264 = tpu.vector_load %arg4[%get3A_1261, %get3A_1262, %get3A_1263] {strides = array<i32>} : memref<16x32x128xf32, #tpu.memory_space<vmem>>, vector<1x1x16xf32>,
      %get3A_1265 = vector.shape_cast %get3A_1264 : vector<1x1x16xf32> to vector<16xf32>
      %get3A_1266 = arith.constant 5 : i32
      %get3A_1267 = arith.index_cast %get3A_1266 : i32 to index
      %get3A_1268 = arith.index_cast %scan3A_521 : i32 to index
      %get3A_1269 = arith.constant 96 : index
      %get3A_1270 = tpu.vector_load %arg4[%get3A_1267, %get3A_1268, %get3A_1269] {strides = array<i32>} : memref<16x32x128xf32, #tpu.memory_space<vmem>>, vector<1x1x16xf32>,
      %get3A_1271 = vector.shape_cast %get3A_1270 : vector<1x1x16xf32> to vector<16xf32>
      %add3A_1272 = arith.addf %get3A_1265, %get3A_1271 : vector<16xf32>
      %get3A_1273 = arith.constant 6 : i32
      %get3A_1274 = arith.index_cast %get3A_1273 : i32 to index
      %get3A_1275 = arith.index_cast %scan3A_521 : i32 to index
      %get3A_1276 = arith.constant 96 : index
      %get3A_1277 = tpu.vector_load %arg4[%get3A_1274, %get3A_1275, %get3A_1276] {strides = array<i32>} : memref<16x32x128xf32, #tpu.memory_space<vmem>>, vector<1x1x16xf32>,
      %get3A_1278 = vector.shape_cast %get3A_1277 : vector<1x1x16xf32> to vector<16xf32>
      %get3A_1279 = arith.constant 7 : i32
      %get3A_1280 = arith.index_cast %get3A_1279 : i32 to index
      %get3A_1281 = arith.index_cast %scan3A_521 : i32 to index
      %get3A_1282 = arith.constant 96 : index
      %get3A_1283 = tpu.vector_load %arg4[%get3A_1280, %get3A_1281, %get3A_1282] {strides = array<i32>} : memref<16x32x128xf32, #tpu.memory_space<vmem>>, vector<1x1x16xf32>,
      %get3A_1284 = vector.shape_cast %get3A_1283 : vector<1x1x16xf32> to vector<16xf32>
      %add3A_1285 = arith.addf %get3A_1278, %get3A_1284 : vector<16xf32>
      %get3A_1286 = arith.constant 8 : i32
      %get3A_1287 = arith.index_cast %get3A_1286 : i32 to index
      %get3A_1288 = arith.index_cast %scan3A_521 : i32 to index
      %get3A_1289 = arith.constant 96 : index
      %get3A_1290 = tpu.vector_load %arg4[%get3A_1287, %get3A_1288, %get3A_1289] {strides = array<i32>} : memref<16x32x128xf32, #tpu.memory_space<vmem>>, vector<1x1x16xf32>,
      %get3A_1291 = vector.shape_cast %get3A_1290 : vector<1x1x16xf32> to vector<16xf32>
      %add3A_1292 = arith.addf %add3A_1246, %get3A_1291 : vector<16xf32>
      %get3A_1293 = arith.constant 9 : i32
      %get3A_1294 = arith.index_cast %get3A_1293 : i32 to index
      %get3A_1295 = arith.index_cast %scan3A_521 : i32 to index
      %get3A_1296 = arith.constant 96 : index
      %get3A_1297 = tpu.vector_load %arg4[%get3A_1294, %get3A_1295, %get3A_1296] {strides = array<i32>} : memref<16x32x128xf32, #tpu.memory_space<vmem>>, vector<1x1x16xf32>,
      %get3A_1298 = vector.shape_cast %get3A_1297 : vector<1x1x16xf32> to vector<16xf32>
      %add3A_1299 = arith.addf %add3A_1292, %get3A_1298 : vector<16xf32>
      %get3A_1300 = arith.constant 10 : i32
      %get3A_1301 = arith.index_cast %get3A_1300 : i32 to index
      %get3A_1302 = arith.index_cast %scan3A_521 : i32 to index
      %get3A_1303 = arith.constant 96 : index
      %get3A_1304 = tpu.vector_load %arg4[%get3A_1301, %get3A_1302, %get3A_1303] {strides = array<i32>} : memref<16x32x128xf32, #tpu.memory_space<vmem>>, vector<1x1x16xf32>,
      %get3A_1305 = vector.shape_cast %get3A_1304 : vector<1x1x16xf32> to vector<16xf32>
      %add3A_1306 = arith.addf %add3A_1299, %get3A_1305 : vector<16xf32>
      %get3A_1307 = arith.constant 11 : i32
      %get3A_1308 = arith.index_cast %get3A_1307 : i32 to index
      %get3A_1309 = arith.index_cast %scan3A_521 : i32 to index
      %get3A_1310 = arith.constant 96 : index
      %get3A_1311 = tpu.vector_load %arg4[%get3A_1308, %get3A_1309, %get3A_1310] {strides = array<i32>} : memref<16x32x128xf32, #tpu.memory_space<vmem>>, vector<1x1x16xf32>,
      %get3A_1312 = vector.shape_cast %get3A_1311 : vector<1x1x16xf32> to vector<16xf32>
      %add3A_1313 = arith.addf %add3A_1306, %get3A_1312 : vector<16xf32>
      %get3A_1314 = arith.constant 12 : i32
      %get3A_1315 = arith.index_cast %get3A_1314 : i32 to index
      %get3A_1316 = arith.index_cast %scan3A_521 : i32 to index
      %get3A_1317 = arith.constant 96 : index
      %get3A_1318 = tpu.vector_load %arg4[%get3A_1315, %get3A_1316, %get3A_1317] {strides = array<i32>} : memref<16x32x128xf32, #tpu.memory_space<vmem>>, vector<1x1x16xf32>,
      %get3A_1319 = vector.shape_cast %get3A_1318 : vector<1x1x16xf32> to vector<16xf32>
      %add3A_1320 = arith.addf %add3A_1313, %get3A_1319 : vector<16xf32>
      %get3A_1321 = arith.constant 13 : i32
      %get3A_1322 = arith.index_cast %get3A_1321 : i32 to index
      %get3A_1323 = arith.index_cast %scan3A_521 : i32 to index
      %get3A_1324 = arith.constant 96 : index
      %get3A_1325 = tpu.vector_load %arg4[%get3A_1322, %get3A_1323, %get3A_1324] {strides = array<i32>} : memref<16x32x128xf32, #tpu.memory_space<vmem>>, vector<1x1x16xf32>,
      %get3A_1326 = vector.shape_cast %get3A_1325 : vector<1x1x16xf32> to vector<16xf32>
      %add3A_1327 = arith.addf %add3A_1320, %get3A_1326 : vector<16xf32>
      %get3A_1328 = arith.constant 14 : i32
      %get3A_1329 = arith.index_cast %get3A_1328 : i32 to index
      %get3A_1330 = arith.index_cast %scan3A_521 : i32 to index
      %get3A_1331 = arith.constant 96 : index
      %get3A_1332 = tpu.vector_load %arg4[%get3A_1329, %get3A_1330, %get3A_1331] {strides = array<i32>} : memref<16x32x128xf32, #tpu.memory_space<vmem>>, vector<1x1x16xf32>,
      %get3A_1333 = vector.shape_cast %get3A_1332 : vector<1x1x16xf32> to vector<16xf32>
      %add3A_1334 = arith.addf %add3A_1327, %get3A_1333 : vector<16xf32>
      %get3A_1335 = arith.constant 15 : i32
      %get3A_1336 = arith.index_cast %get3A_1335 : i32 to index
      %get3A_1337 = arith.index_cast %scan3A_521 : i32 to index
      %get3A_1338 = arith.constant 96 : index
      %get3A_1339 = tpu.vector_load %arg4[%get3A_1336, %get3A_1337, %get3A_1338] {strides = array<i32>} : memref<16x32x128xf32, #tpu.memory_space<vmem>>, vector<1x1x16xf32>,
      %get3A_1340 = vector.shape_cast %get3A_1339 : vector<1x1x16xf32> to vector<16xf32>
      %add3A_1341 = arith.addf %add3A_1334, %get3A_1340 : vector<16xf32>
      %add3A_1342 = arith.addf %add3A_1341, %add3A_1259 : vector<16xf32>
      %add3A_1343 = arith.addf %add3A_1272, %add3A_1285 : vector<16xf32>
      %add3A_1344 = arith.addf %add3A_1342, %add3A_1343 : vector<16xf32>
      %mul3A_1345 = arith.constant 6.250000e-02 : f32
      %mul3A_1346 = vector.broadcast %mul3A_1345 : f32 to vector<16xf32>
      %mul3A_1347 = arith.mulf %add3A_1344, %mul3A_1346 : vector<16xf32>
      %swap3A_1348 = arith.index_cast %scan3A_521 : i32 to index
      %swap3A_1349 = arith.constant 96 : index
      %swap3A_1350 = tpu.vector_load %arg5[%swap3A_1348, %swap3A_1349] {strides = array<i32>} : memref<32x128xf32, #tpu.memory_space<vmem>>, vector<1x16xf32>,
      %swap3A_1351 = vector.shape_cast %swap3A_1350 : vector<1x16xf32> to vector<16xf32>
      %swap3A_1352 = vector.shape_cast %mul3A_1347 : vector<16xf32> to vector<1x16xf32>
      tpu.vector_store %arg5[%swap3A_1348, %swap3A_1349], %swap3A_1352 {strides = array<i32>} : memref<32x128xf32, #tpu.memory_space<vmem>>, vector<1x16xf32>,
      %get3A_1353 = arith.constant 0 : i32
      %get3A_1354 = arith.index_cast %get3A_1353 : i32 to index
      %get3A_1355 = arith.index_cast %scan3A_521 : i32 to index
      %get3A_1356 = arith.constant 112 : index
      %get3A_1357 = tpu.vector_load %arg4[%get3A_1354, %get3A_1355, %get3A_1356] {strides = array<i32>} : memref<16x32x128xf32, #tpu.memory_space<vmem>>, vector<1x1x16xf32>,
      %get3A_1358 = vector.shape_cast %get3A_1357 : vector<1x1x16xf32> to vector<16xf32>
      %get3A_1359 = arith.constant 1 : i32
      %get3A_1360 = arith.index_cast %get3A_1359 : i32 to index
      %get3A_1361 = arith.index_cast %scan3A_521 : i32 to index
      %get3A_1362 = arith.constant 112 : index
      %get3A_1363 = tpu.vector_load %arg4[%get3A_1360, %get3A_1361, %get3A_1362] {strides = array<i32>} : memref<16x32x128xf32, #tpu.memory_space<vmem>>, vector<1x1x16xf32>,
      %get3A_1364 = vector.shape_cast %get3A_1363 : vector<1x1x16xf32> to vector<16xf32>
      %add3A_1365 = arith.addf %get3A_1358, %get3A_1364 : vector<16xf32>
      %get3A_1366 = arith.constant 2 : i32
      %get3A_1367 = arith.index_cast %get3A_1366 : i32 to index
      %get3A_1368 = arith.index_cast %scan3A_521 : i32 to index
      %get3A_1369 = arith.constant 112 : index
      %get3A_1370 = tpu.vector_load %arg4[%get3A_1367, %get3A_1368, %get3A_1369] {strides = array<i32>} : memref<16x32x128xf32, #tpu.memory_space<vmem>>, vector<1x1x16xf32>,
      %get3A_1371 = vector.shape_cast %get3A_1370 : vector<1x1x16xf32> to vector<16xf32>
      %get3A_1372 = arith.constant 3 : i32
      %get3A_1373 = arith.index_cast %get3A_1372 : i32 to index
      %get3A_1374 = arith.index_cast %scan3A_521 : i32 to index
      %get3A_1375 = arith.constant 112 : index
      %get3A_1376 = tpu.vector_load %arg4[%get3A_1373, %get3A_1374, %get3A_1375] {strides = array<i32>} : memref<16x32x128xf32, #tpu.memory_space<vmem>>, vector<1x1x16xf32>,
      %get3A_1377 = vector.shape_cast %get3A_1376 : vector<1x1x16xf32> to vector<16xf32>
      %add3A_1378 = arith.addf %get3A_1371, %get3A_1377 : vector<16xf32>
      %get3A_1379 = arith.constant 4 : i32
      %get3A_1380 = arith.index_cast %get3A_1379 : i32 to index
      %get3A_1381 = arith.index_cast %scan3A_521 : i32 to index
      %get3A_1382 = arith.constant 112 : index
      %get3A_1383 = tpu.vector_load %arg4[%get3A_1380, %get3A_1381, %get3A_1382] {strides = array<i32>} : memref<16x32x128xf32, #tpu.memory_space<vmem>>, vector<1x1x16xf32>,
      %get3A_1384 = vector.shape_cast %get3A_1383 : vector<1x1x16xf32> to vector<16xf32>
      %get3A_1385 = arith.constant 5 : i32
      %get3A_1386 = arith.index_cast %get3A_1385 : i32 to index
      %get3A_1387 = arith.index_cast %scan3A_521 : i32 to index
      %get3A_1388 = arith.constant 112 : index
      %get3A_1389 = tpu.vector_load %arg4[%get3A_1386, %get3A_1387, %get3A_1388] {strides = array<i32>} : memref<16x32x128xf32, #tpu.memory_space<vmem>>, vector<1x1x16xf32>,
      %get3A_1390 = vector.shape_cast %get3A_1389 : vector<1x1x16xf32> to vector<16xf32>
      %add3A_1391 = arith.addf %get3A_1384, %get3A_1390 : vector<16xf32>
      %get3A_1392 = arith.constant 6 : i32
      %get3A_1393 = arith.index_cast %get3A_1392 : i32 to index
      %get3A_1394 = arith.index_cast %scan3A_521 : i32 to index
      %get3A_1395 = arith.constant 112 : index
      %get3A_1396 = tpu.vector_load %arg4[%get3A_1393, %get3A_1394, %get3A_1395] {strides = array<i32>} : memref<16x32x128xf32, #tpu.memory_space<vmem>>, vector<1x1x16xf32>,
      %get3A_1397 = vector.shape_cast %get3A_1396 : vector<1x1x16xf32> to vector<16xf32>
      %get3A_1398 = arith.constant 7 : i32
      %get3A_1399 = arith.index_cast %get3A_1398 : i32 to index
      %get3A_1400 = arith.index_cast %scan3A_521 : i32 to index
      %get3A_1401 = arith.constant 112 : index
      %get3A_1402 = tpu.vector_load %arg4[%get3A_1399, %get3A_1400, %get3A_1401] {strides = array<i32>} : memref<16x32x128xf32, #tpu.memory_space<vmem>>, vector<1x1x16xf32>,
      %get3A_1403 = vector.shape_cast %get3A_1402 : vector<1x1x16xf32> to vector<16xf32>
      %add3A_1404 = arith.addf %get3A_1397, %get3A_1403 : vector<16xf32>
      %get3A_1405 = arith.constant 8 : i32
      %get3A_1406 = arith.index_cast %get3A_1405 : i32 to index
      %get3A_1407 = arith.index_cast %scan3A_521 : i32 to index
      %get3A_1408 = arith.constant 112 : index
      %get3A_1409 = tpu.vector_load %arg4[%get3A_1406, %get3A_1407, %get3A_1408] {strides = array<i32>} : memref<16x32x128xf32, #tpu.memory_space<vmem>>, vector<1x1x16xf32>,
      %get3A_1410 = vector.shape_cast %get3A_1409 : vector<1x1x16xf32> to vector<16xf32>
      %add3A_1411 = arith.addf %add3A_1365, %get3A_1410 : vector<16xf32>
      %get3A_1412 = arith.constant 9 : i32
      %get3A_1413 = arith.index_cast %get3A_1412 : i32 to index
      %get3A_1414 = arith.index_cast %scan3A_521 : i32 to index
      %get3A_1415 = arith.constant 112 : index
      %get3A_1416 = tpu.vector_load %arg4[%get3A_1413, %get3A_1414, %get3A_1415] {strides = array<i32>} : memref<16x32x128xf32, #tpu.memory_space<vmem>>, vector<1x1x16xf32>,
      %get3A_1417 = vector.shape_cast %get3A_1416 : vector<1x1x16xf32> to vector<16xf32>
      %add3A_1418 = arith.addf %add3A_1411, %get3A_1417 : vector<16xf32>
      %get3A_1419 = arith.constant 10 : i32
      %get3A_1420 = arith.index_cast %get3A_1419 : i32 to index
      %get3A_1421 = arith.index_cast %scan3A_521 : i32 to index
      %get3A_1422 = arith.constant 112 : index
      %get3A_1423 = tpu.vector_load %arg4[%get3A_1420, %get3A_1421, %get3A_1422] {strides = array<i32>} : memref<16x32x128xf32, #tpu.memory_space<vmem>>, vector<1x1x16xf32>,
      %get3A_1424 = vector.shape_cast %get3A_1423 : vector<1x1x16xf32> to vector<16xf32>
      %add3A_1425 = arith.addf %add3A_1418, %get3A_1424 : vector<16xf32>
      %get3A_1426 = arith.constant 11 : i32
      %get3A_1427 = arith.index_cast %get3A_1426 : i32 to index
      %get3A_1428 = arith.index_cast %scan3A_521 : i32 to index
      %get3A_1429 = arith.constant 112 : index
      %get3A_1430 = tpu.vector_load %arg4[%get3A_1427, %get3A_1428, %get3A_1429] {strides = array<i32>} : memref<16x32x128xf32, #tpu.memory_space<vmem>>, vector<1x1x16xf32>,
      %get3A_1431 = vector.shape_cast %get3A_1430 : vector<1x1x16xf32> to vector<16xf32>
      %add3A_1432 = arith.addf %add3A_1425, %get3A_1431 : vector<16xf32>
      %get3A_1433 = arith.constant 12 : i32
      %get3A_1434 = arith.index_cast %get3A_1433 : i32 to index
      %get3A_1435 = arith.index_cast %scan3A_521 : i32 to index
      %get3A_1436 = arith.constant 112 : index
      %get3A_1437 = tpu.vector_load %arg4[%get3A_1434, %get3A_1435, %get3A_1436] {strides = array<i32>} : memref<16x32x128xf32, #tpu.memory_space<vmem>>, vector<1x1x16xf32>,
      %get3A_1438 = vector.shape_cast %get3A_1437 : vector<1x1x16xf32> to vector<16xf32>
      %add3A_1439 = arith.addf %add3A_1432, %get3A_1438 : vector<16xf32>
      %get3A_1440 = arith.constant 13 : i32
      %get3A_1441 = arith.index_cast %get3A_1440 : i32 to index
      %get3A_1442 = arith.index_cast %scan3A_521 : i32 to index
      %get3A_1443 = arith.constant 112 : index
      %get3A_1444 = tpu.vector_load %arg4[%get3A_1441, %get3A_1442, %get3A_1443] {strides = array<i32>} : memref<16x32x128xf32, #tpu.memory_space<vmem>>, vector<1x1x16xf32>,
      %get3A_1445 = vector.shape_cast %get3A_1444 : vector<1x1x16xf32> to vector<16xf32>
      %add3A_1446 = arith.addf %add3A_1439, %get3A_1445 : vector<16xf32>
      %get3A_1447 = arith.constant 14 : i32
      %get3A_1448 = arith.index_cast %get3A_1447 : i32 to index
      %get3A_1449 = arith.index_cast %scan3A_521 : i32 to index
      %get3A_1450 = arith.constant 112 : index
      %get3A_1451 = tpu.vector_load %arg4[%get3A_1448, %get3A_1449, %get3A_1450] {strides = array<i32>} : memref<16x32x128xf32, #tpu.memory_space<vmem>>, vector<1x1x16xf32>,
      %get3A_1452 = vector.shape_cast %get3A_1451 : vector<1x1x16xf32> to vector<16xf32>
      %add3A_1453 = arith.addf %add3A_1446, %get3A_1452 : vector<16xf32>
      %get3A_1454 = arith.constant 15 : i32
      %get3A_1455 = arith.index_cast %get3A_1454 : i32 to index
      %get3A_1456 = arith.index_cast %scan3A_521 : i32 to index
      %get3A_1457 = arith.constant 112 : index
      %get3A_1458 = tpu.vector_load %arg4[%get3A_1455, %get3A_1456, %get3A_1457] {strides = array<i32>} : memref<16x32x128xf32, #tpu.memory_space<vmem>>, vector<1x1x16xf32>,
      %get3A_1459 = vector.shape_cast %get3A_1458 : vector<1x1x16xf32> to vector<16xf32>
      %add3A_1460 = arith.addf %add3A_1453, %get3A_1459 : vector<16xf32>
      %add3A_1461 = arith.addf %add3A_1460, %add3A_1378 : vector<16xf32>
      %add3A_1462 = arith.addf %add3A_1391, %add3A_1404 : vector<16xf32>
      %add3A_1463 = arith.addf %add3A_1461, %add3A_1462 : vector<16xf32>
      %mul3A_1464 = arith.constant 6.250000e-02 : f32
      %mul3A_1465 = vector.broadcast %mul3A_1464 : f32 to vector<16xf32>
      %mul3A_1466 = arith.mulf %add3A_1463, %mul3A_1465 : vector<16xf32>
      %swap3A_1467 = arith.index_cast %scan3A_521 : i32 to index
      %swap3A_1468 = arith.constant 112 : index
      %swap3A_1469 = tpu.vector_load %arg5[%swap3A_1467, %swap3A_1468] {strides = array<i32>} : memref<32x128xf32, #tpu.memory_space<vmem>>, vector<1x16xf32>,
      %swap3A_1470 = vector.shape_cast %swap3A_1469 : vector<1x16xf32> to vector<16xf32>
      %swap3A_1471 = vector.shape_cast %mul3A_1466 : vector<16xf32> to vector<1x16xf32>
      tpu.vector_store %arg5[%swap3A_1467, %swap3A_1468], %swap3A_1471 {strides = array<i32>} : memref<32x128xf32, #tpu.memory_space<vmem>>, vector<1x16xf32>,
    }
    %scan3A_520 = arith.constant 32 : i32
    "tpu.region"() ({
      %run_scoped3A = tpu.sem_alloc : memref<!tpu.dma_semaphore, #tpu.memory_space<semaphore_mem>>
      %dma_start3A_521 = arith.constant 0 : i32
      %dma_start3A_522 = tpu.memref_slice %arg3[%multiple_of3A, %dma_start3A_521] : memref<1000x128xf32, #tpu.memory_space<hbm>> -> memref<32x128xf32, #tpu.memory_space<hbm>>
      %dma_start3A_523 = arith.constant 0 : i32
      %dma_start3A_524 = tpu.memref_slice %arg3[%multiple_of3A, %dma_start3A_523] : memref<1000x128xf32, #tpu.memory_space<hbm>> -> memref<32x128xf32, #tpu.memory_space<hbm>>
      tpu.enqueue_dma source(%arg5 : memref<32x128xf32, #tpu.memory_space<vmem>>) target(%dma_start3A_524 : memref<32x128xf32, #tpu.memory_space<hbm>>) target_semaphore(%run_scoped3A : memref<!tpu.dma_semaphore, #tpu.memory_space<semaphore_mem>>)
      %dma_wait3A_525 = arith.constant 0 : i32
      %dma_wait3A_526 = tpu.memref_slice %arg3[%multiple_of3A, %dma_wait3A_525] : memref<1000x128xf32, #tpu.memory_space<hbm>> -> memref<32x128xf32, #tpu.memory_space<hbm>>
      %dma_wait3A_527 = arith.constant 0 : i32
      %dma_wait3A_528 = tpu.memref_slice %arg3[%multiple_of3A, %dma_wait3A_527] : memref<1000x128xf32, #tpu.memory_space<hbm>> -> memref<32x128xf32, #tpu.memory_space<hbm>>
      tpu.wait_dma2 semaphore(%run_scoped3A : memref<!tpu.dma_semaphore, #tpu.memory_space<semaphore_mem>>) src(%arg5 : memref<32x128xf32, #tpu.memory_space<vmem>>) dst(%dma_wait3A_528 : memref<32x128xf32, #tpu.memory_space<hbm>>)
      tpu.yield
    }) : () -> ()
    return
  }
}

</mosaic_0001>

<sc_bundles>
// kernel: kernel.3.cloned.1.call-start
scs
__scs_entry_jumppad:
0x0: {  	(pc) =	sbr.rel $0x88, $3  }
0x1: {  	(tag) =	ssettag $0x0;
	lr =	simm.s32 $0x1  }
0x2: {  	[smem:$0x3FA0] =	sst lr;
	_ =	strace $0xD0000000  }
0x3: {  	_ = 	snop  }
0x4: {  	_ = 	snop  }
0x5: {  	_ = 	snop  }
0x6: {  	_ = 	snop  }
0x7: {  	_ = 	snop  }
__scs_overlays_trampoline_lowered:
0x8: {  	[smem:$0x3FAF] =	sst s0  }
0x9: {  	[smem:$0x3FB0] =	sst s1  }
0xa: {  	[smem:$0x3FB1] =	sst s2  }
0xb: {  	[smem:$0x3FB2] =	sst s3  }
0xc: {  	[smem:$0x3FB3] =	sst s4  }
0xd: {  	[smem:$0x3FB4] =	sst s5  }
0xe: {  	[smem:$0x3FB5] =	sst s6  }
0xf: {  	[smem:$0x3FB6] =	sst s7  }
0x10: {  	[smem:$0x3FB7] =	sst s8  }
0x11: {  	[smem:$0x3FB8] =	sst s9;
	s0 =	simm.s32 @!p0 $0x0  }
0x12: {  	s1 =	sld [smem:$0x3F9E];
	s0 =	simm.s32 @p0 $0x1  }
0x13: {  	[smem:$0x3FB9] =	sst s0;
	s0 =	simm.s32 @!p1 $0x0  }
0x14: {  	s2 =	sld [smem:$0x3F9D];
	s0 =	simm.s32 @p1 $0x1  }
0x15: {  	[smem:$0x3FBA] =	sst s0;
	s0 =	simm.s32 @!p2 $0x0  }
0x16: {  	s3 =	sld [smem:$0x3FDB];
	s0 =	simm.s32 @p2 $0x1  }
0x17: {  	s4 =	simm.s32 $0x1BF5;
	[smem:$0x3FBC] =	sst s0  }
0x18: {  	s0 =	sld [smem:$0x3F9F];
	_ =	swait.ge [sflag:s4], $0x0  }
0x19: {  	s7 =	sld [smem:$0x3FA0]  }
0x1a: {  	s8 =	sadd.s32 $0xFFFFE003, lr  }
0x1b: {  	s9 =	sadd.s32 $0xFFFFFEF7, lr;
	s5 =	simm.s32 $0xFFFFFFFF;
	p2 =	slt.u32 s8, $0xFFFFF086  }
0x1c: {  	p1 =	slt.u32 s9, $0xF7A;
	s5 =	simm.s32 @!p2 $0x0  }
0x1d: {  	s5 =	simm.s32 @p1 $0x1;
	p0 =	seq.s32 s7, s2  }
0x1e: {  	s7 =	smul.u32 @!p0 $0xF7A, s2;
	p2 =	seq.s32 @!p0 s5, $0x0  }
0x1f: {  	s9 =	smul.u32 $0xF7A, s1;
	s8 =	simm.s32 @!p0 $0x1BF5;
	p2 =	por !p2, p0  }
0x20: {  	[sflag:s8] =	ssyncset.s32 @!p0 $0xFFFFF086;
	s6 =	sadd.s32 @!p0 s3, s7;
	s7 =	simm.s32 @!p0 $0x108  }
0x21: {  	s3 =	sadd.s32 s3, s9;
	s6 =	sadd.s32 @!p0 $0x88, s6;
	s7 =	simm.s32 @p2 $0x1082  }
0x22: {  	[simem:s7], [sflag:s8] =	dma.local @!p0 [hbm:s6], $0xF7A  }
0x23: {  	s9 =	sor.u32 $0xD0000000, s2;
	s6 =	simm.s32 $0x108;
	_ =	swait.ge @!p0 [sflag:s8], $0x0  }
0x24: {  	s3 =	sadd.s32 $0x88, s3;
	s6 =	simm.s32 @!p1 $0x1082;
	[sflag:s4] =	ssyncset.s32 $0xFFFFF086  }
0x25: {  	[simem:s6], [sflag:s4] =	dma.local [hbm:s3], $0xF7A  }
0x26: {  	[smem:$0x3FA0] =	sst s1;
	(tag) =	ssettag s2;
	_ =	strace s9  }
0x27: {  	s1 =	sld [smem:$0x3FB0]  }
0x28: {  	s2 =	sld [smem:$0x3FB1]  }
0x29: {  	s4 =	sld [smem:$0x3FB3]  }
0x2a: {  	p0 =	seq.s32 s5, $0x0;
	s5 =	sld [smem:$0x3FB4]  }
0x2b: {  	s6 =	sld [smem:$0x3FB5]  }
0x2c: {  	s7 =	sld [smem:$0x3FB6]  }
0x2d: {  	s3 =	simm.s32 $0x108;
	s8 =	sld [smem:$0x3FB7]  }
0x2e: {  	s3 =	simm.s32 @!p0 $0x1082;
	s9 =	sld [smem:$0x3FB8]  }
0x2f: {  	lr =	sadd.s32 s0, s3;
	s0 =	sld [smem:$0x3FAF]  }
0x30: {  	s3 =	sld [smem:$0x3FB2]  }
0x31: {  	[smem:$0x3FBB] =	sst s10  }
0x32: {  	s10 =	sld [smem:$0x3FB9];
	_ =	sdelay $0x3  }
0x33: {  	p0 =	seq.s32 s10, $0x1;
	s10 =	sld [smem:$0x3FBB];
	_ =	sdelay $0x3  }
0x34: {  	[smem:$0x3FBB] =	sst s10  }
0x35: {  	s10 =	sld [smem:$0x3FBA];
	_ =	sdelay $0x3  }
0x36: {  	p1 =	seq.s32 s10, $0x1;
	s10 =	sld [smem:$0x3FBB];
	_ =	sdelay $0x3  }
0x37: {  	[smem:$0x3FBB] =	sst s10  }
0x38: {  	s10 =	sld [smem:$0x3FBC]  }
0x39: {  	_ = 	snop;
	(pc) =	sbr.ind lr, $3  }
0x3a: {  	_ = 	snop  }
0x3b: {  	_ = 	snop  }
0x3c: {  	p2 =	seq.s32 s10, $0x1;
	s10 =	sld [smem:$0x3FBB]  }
0x3d: {  	_ =	shalt  }
0x3e: {  	_ =	shalt  }
0x3f: {  	_ =	shalt  }
0x40: {  	_ =	shalt  }
0x41: {  	_ =	shalt  }
0x42: {  	_ =	shalt  }
0x43: {  	_ =	shalt  }
0x44: {  	_ =	shalt  }
0x45: {  	_ =	shalt  }
0x46: {  	_ =	shalt  }
0x47: {  	_ =	shalt  }
0x48: {  	_ =	shalt  }
0x49: {  	_ =	shalt  }
0x4a: {  	_ =	shalt  }
0x4b: {  	_ =	shalt  }
0x4c: {  	_ =	shalt  }
0x4d: {  	_ =	shalt  }
0x4e: {  	_ =	shalt  }
0x4f: {  	_ =	shalt  }
0x50: {  	_ =	shalt  }
0x51: {  	_ =	shalt  }
0x52: {  	_ =	shalt  }
0x53: {  	_ =	shalt  }
0x54: {  	_ =	shalt  }
0x55: {  	_ =	shalt  }
0x56: {  	_ =	shalt  }
0x57: {  	_ =	shalt  }
0x58: {  	_ =	shalt  }
0x59: {  	_ =	shalt  }
0x5a: {  	_ =	shalt  }
0x5b: {  	_ =	shalt  }
0x5c: {  	_ =	shalt  }
0x5d: {  	_ =	shalt  }
0x5e: {  	_ =	shalt  }
0x5f: {  	_ =	shalt  }
0x60: {  	_ =	shalt  }
0x61: {  	_ =	shalt  }
0x62: {  	_ =	shalt  }
0x63: {  	_ =	shalt  }
0x64: {  	_ =	shalt  }
0x65: {  	_ =	shalt  }
0x66: {  	_ =	shalt  }
0x67: {  	_ =	shalt  }
0x68: {  	_ =	shalt  }
0x69: {  	_ =	shalt  }
0x6a: {  	_ =	shalt  }
0x6b: {  	_ =	shalt  }
0x6c: {  	_ =	shalt  }
0x6d: {  	_ =	shalt  }
0x6e: {  	_ =	shalt  }
0x6f: {  	_ =	shalt  }
0x70: {  	_ =	shalt  }
0x71: {  	_ =	shalt  }
0x72: {  	_ =	shalt  }
0x73: {  	_ =	shalt  }
0x74: {  	_ =	shalt  }
0x75: {  	_ =	shalt  }
0x76: {  	_ =	shalt  }
0x77: {  	_ =	shalt  }
0x78: {  	_ =	shalt  }
0x79: {  	_ =	shalt  }
0x7a: {  	_ =	shalt  }
0x7b: {  	_ =	shalt  }
0x7c: {  	_ =	shalt  }
0x7d: {  	_ =	shalt  }
0x7e: {  	_ =	shalt  }
0x7f: {  	_ =	shalt  }
0x80: {  	_ =	shalt  }
0x81: {  	_ =	shalt  }
0x82: {  	_ =	shalt  }
0x83: {  	_ =	shalt  }
0x84: {  	_ =	shalt  }
0x85: {  	_ =	shalt  }
0x86: {  	_ =	shalt  }
0x87: {  	_ =	shalt  }
.Lfunc_end0:
.L_simem_size_0:
called_computation_lowered:
.L_overlay_start_0:
0x88: {  	s2 =	sld [smem:$0x3FD9]  }
0x89: {  	s3 =	sld [smem:$0x3FFE];
	_ =	sdelay $0x1  }
0x8a: {  	s1 =	srdreg.scid  }
0x8b: {  	s0 =	sand.u32 $0x1, s1  }
0x8c: {  	s18 =	sshll.u32 s0, $0xA;
	s2 =	sadd.s32 s3, s2  }
0x8d: {  	s2 =	sadd.s32 s2, s18  }
0x8e: {  	[smem:$0x3FC7] =	sst s2  }
0x8f: {  	_ = 	snop  }
0x90: {  	s2 =	sld [smem:$0x3FC9]  }
0x91: {  	s19 =	sld [smem:$0x3FD0];
	(tm) =	ssettm $0x1  }
0x92: {  	s4 =	sld [smem:$0x3FFB];
	_ =	sdelay $0x3  }
0x93: {  	_ =	strace s4  }
0x94: {  	s4 =	sld [smem:$0x3FFC];
	_ =	sdelay $0x3  }
0x95: {  	_ =	strace s4  }
0x96: {  	s4 =	sld [smem:$0x3FFD];
	_ =	sdelay $0x3  }
0x97: {  	_ =	strace s4  }
0x98: {  	_ =	strace $0x8FFFFFFF  }
0x99: {  	s20 =	sld [smem:$0x3FDB];
	_ =	sdelay $0x1  }
0x9a: {  	s5 =	simm.s32 $_scs_section_size  }
0x9b: {  	s6 =	simm.s32 $_size__tile_overlayer_lowered;
	s7 =	simm.s32 $_tile_overlayer_lowered  }
0x9c: {  	s23 =	simm.s32 $0x1BFF;
	s22 =	sshll.u32 s7, $0x1;
	s4 =	sadd.s32 s5, s20  }
0x9d: {  	s8 =	simm.s32 $0x0;
	s21 =	sshll.u32 s6, $0x1;
	s6 =	sadd.s32 s22, s4  }
0x9e: {  	[timem:s8], [sflag:s23] =	dma.local [hbm:s6], s21  }
0x9f: {  	_ =	swait.ge [sflag:s23], s21  }
0xa0: {  	s5 =	ssub.s32 $0x0, s21;
	[sflag:s23] =	ssyncset.done $0x0  }
0xa1: {  	[sflag:s23] =	ssyncadd.s32 s5;
	_ =	sdelay $0x1  }
0xa2: {  	s24 =	simm.s32 $0x1B8B  }
0xa3: {  	_ =	swait.ge [sflag:s24], $0x1  }
0xa4: {  	[sflag:s24] =	ssyncset.done $0x0  }
0xa5: {  	s25 =	simm.s32 $0x1B8E;
	[sflag:s24] =	ssyncadd.s32 $0xFFFFFFFF  }
0xa6: {  	s26 =	simm.s32 $execute0_lowered;
	[smem:$0x3FD2] =	sst s25  }
0xa7: {  	s5 =	sshll.u32 s26, $0x1;
	_ =	strace $0x80000046;
	[dreg:$0x1] =	wrdreg $0xFFFFFFFF  }
0xa8: {  	s28 =	simm.s32 $_size_execute0_lowered;
	s4 =	sadd.s32 s4, s5;
	[dreg:$0x0] =	wrdreg $0x0  }
0xa9: {  	s5 =	sshll.u32 s28, $0x1;
	[dreg:$0x2] =	wrdreg s4  }
0xaa: {  	[dreg:$0x3] =	wrdreg s5  }
0xab: {  	[dreg:$0x4] =	wrdreg $0xC0  }
0xac: {  	_ =	task [dreg:s8], $0x5FFFF  }
0xad: {  	[dreg:$0x1] =	wrdreg $0xFFFFFFFF  }
0xae: {  	[dreg:$0x0] =	wrdreg $0x60  }
0xaf: {  	[dreg:$0x2] =	wrdreg s2  }
0xb0: {  	[dreg:$0x3] =	wrdreg s19  }
0xb1: {  	[dreg:$0x4] =	wrdreg $0x9  }
0xb2: {  	_ =	task.clear_ibuf [dreg:s8], $0x5FFFF;
	_ =	strace $0x90000046  }
0xb3: {  	s29 =	simm.s32 $0x9;
	_ =	strace $0x80000048  }
0xb4: {  	_ =	swait.ge [sflag:s29], $0x1  }
0xb5: {  	[sflag:s29] =	ssyncadd.s32 $0xFFFFFFFF  }
0xb6: {  	_ =	strace $0x90000048  }
0xb7: {  	_ =	sfence  }
0xb8: {  	s30 =	sld [smem:$0x0];
	_ =	sdelay $0x2  }
0xb9: {  	s31 =	sshll.u32 s1, $0xD;
	s1 =	sshrl.u32 s1, $0x2  }
0xba: {  	s3 =	sand.u32 $0x4000, s31;
	s1 =	sadd.s32 s1, s30  }
0xbb: {  	s0 =	sor.u32 s3, s0;
	s1 =	sshll.u32 s1, $0x11  }
0xbc: {  	s0 =	sor.u32 s1, s0  }
0xbd: {  	s0 =	sadd.s32 $0x8F2B, s0  }
0xbe: {  	[sflag:s0] =	ssyncadd.remote.s32 $0x1  }
0xbf: {  	_ =	sfence.sel $0xFFFF  }
0xc0: {  	[dreg:$0x0] =	wrdreg $0xFFFFFFFF;
	(pc) =	sbr.abs _section_cstart, $3  }
0xc1: {  	[dreg:$0x1] =	wrdreg $0xFFFFFFFF  }
0xc2: {  	_ =	task.clear_ibuf [dreg:s8], $0x2FFFF;
	_ =	strace $0x9FFFFFFF  }
0xc3: {  	(tm) =	ssettm $0x7FFFFFFF  }
tec
execute0_lowered:
.L_overlay_start_1:
0x0: {  	(tag) =	ssettag $0x1  }
0x1: {  	s0 =	srdreg.scid;
	s1 =	rddreg [dreg:$0x0]  }
0x2: {  	s2 =	stileid.u32;
	s19 =	rddreg [dreg:$0x1]  }
0x3: {  	s21 =	simm.s32 $0xD000;
	s22 =	simm.s32 $0xE000;
	s23 =	simm.s32 $0xF000  }
0x4: {  	s24 =	simm.s32 $0x1;
	s25 =	simm.s32 $0x10000;
	s0 =	sand.u32 $0x1, s0  }
0x5: {  	s26 =	simm.s32 $0x2;
	s2 =	sshll.u32 s2, $0x3;
	s3 =	sshll.u32 s0, $0x2  }
0x6: {  	s28 =	simm.s32 $0x0;
	s0 =	ssub.s32 $0x2, s0;
	s3 =	sor.u32 s3, s2  }
0x7: {  	s2 =	simm.s32 $0x0;
	s4 =	sshrl.u32 s0, $0x1;
	s3 =	smin.u32 s3, $0x79  }
0x8: {  	[smem:$0x7FF] =	sst s2;
	s0 =	ssub.s32 s0, s4;
	s20 =	sshll.u32 s3, $0x7  }
0x9: {  	_ =	strace $0x80000047;
	s3 =	sadd.s32 s1, s20;
	s19 =	sadd.s32 s19, s20  }
0xa: {  	s20 =	smax.u32 s0, $0x1;
	s1 =	simm.s32 $0xB000;
	s0 =	simm.s32 $0xC000  }
0xb: {  	s4 =	sadd.s32 $0x3E80, s3;
	s5 =	sadd.s32 $0x7D00, s3;
	s6 =	sadd.s32 $0xBB80, s3  }
0xc: {  	s7 =	sadd.s32 $0xFA00, s3;
	s8 =	sadd.s32 $0x13880, s3;
	s9 =	sadd.s32 $0x17700, s3  }
0xd: {  	s10 =	sadd.s32 $0x1B580, s3;
	s11 =	sadd.s32 $0x1F400, s3;
	s12 =	sadd.s32 $0x23280, s3  }
0xe: {  	s13 =	sadd.s32 $0x27100, s3;
	s14 =	sadd.s32 $0x2AF80, s3;
	s15 =	sadd.s32 $0x2EE00, s3  }
0xf: {  	s16 =	sadd.s32 $0x32C80, s3;
	s17 =	sadd.s32 $0x36B00, s3;
	s18 =	sadd.s32 $0x3A980, s3  }
.LBB2_1:
0x10: {  	[tilespmem:s2], [sflag:$0x1] =	stream.linear.gather [hbm4b:s3+s2], $0x1000, $0x38;
	[tilespmem:$0x11000] =	vst v63  }
0x11: {  	s29 =	simm.s32 $0x1000  }
0x12: {  	[tilespmem:s29], [sflag:$0x1] =	stream.linear.gather [hbm4b:s4+s2], $0x1000, $0x38;
	[tilespmem:$0x11000] =	vst v63  }
0x13: {  	s29 =	simm.s32 $0x2000  }
0x14: {  	[tilespmem:s29], [sflag:$0x1] =	stream.linear.gather [hbm4b:s5+s2], $0x1000, $0x38;
	[tilespmem:$0x11000] =	vst v63  }
0x15: {  	s29 =	simm.s32 $0x3000  }
0x16: {  	[tilespmem:s29], [sflag:$0x1] =	stream.linear.gather [hbm4b:s6+s2], $0x1000, $0x38;
	[tilespmem:$0x11000] =	vst v63  }
0x17: {  	s29 =	simm.s32 $0x4000  }
0x18: {  	[tilespmem:s29], [sflag:$0x1] =	stream.linear.gather [hbm4b:s7+s2], $0x1000, $0x38;
	[tilespmem:$0x11000] =	vst v63  }
0x19: {  	s29 =	simm.s32 $0x5000  }
0x1a: {  	[tilespmem:s29], [sflag:$0x1] =	stream.linear.gather [hbm4b:s8+s2], $0x1000, $0x38;
	[tilespmem:$0x11000] =	vst v63  }
0x1b: {  	s29 =	simm.s32 $0x6000  }
0x1c: {  	[tilespmem:s29], [sflag:$0x1] =	stream.linear.gather [hbm4b:s9+s2], $0x1000, $0x38;
	[tilespmem:$0x11000] =	vst v63  }
0x1d: {  	s29 =	simm.s32 $0x7000  }
0x1e: {  	[tilespmem:s29], [sflag:$0x1] =	stream.linear.gather [hbm4b:s10+s2], $0x1000, $0x38;
	[tilespmem:$0x11000] =	vst v63  }
0x1f: {  	s29 =	simm.s32 $0x8000  }
0x20: {  	[tilespmem:s29], [sflag:$0x1] =	stream.linear.gather [hbm4b:s11+s2], $0x1000, $0x38;
	[tilespmem:$0x11000] =	vst v63  }
0x21: {  	s29 =	simm.s32 $0x9000  }
0x22: {  	[tilespmem:s29], [sflag:$0x1] =	stream.linear.gather [hbm4b:s12+s2], $0x1000, $0x38;
	[tilespmem:$0x11000] =	vst v63  }
0x23: {  	s29 =	simm.s32 $0xA000  }
0x24: {  	[tilespmem:s29], [sflag:$0x1] =	stream.linear.gather [hbm4b:s13+s2], $0x1000, $0x38;
	[tilespmem:$0x11000] =	vst v63  }
0x25: {  	_ = 	snop  }
0x26: {  	[tilespmem:s1], [sflag:$0x1] =	stream.linear.gather [hbm4b:s14+s2], $0x1000, $0x38;
	[tilespmem:$0x11000] =	vst v63  }
0x27: {  	_ = 	snop  }
0x28: {  	[tilespmem:s0], [sflag:$0x1] =	stream.linear.gather [hbm4b:s15+s2], $0x1000, $0x38;
	[tilespmem:$0x11000] =	vst v63  }
0x29: {  	_ = 	snop  }
0x2a: {  	[tilespmem:s21], [sflag:$0x1] =	stream.linear.gather [hbm4b:s16+s2], $0x1000, $0x38;
	[tilespmem:$0x11000] =	vst v63  }
0x2b: {  	_ = 	snop  }
0x2c: {  	[tilespmem:s22], [sflag:$0x1] =	stream.linear.gather [hbm4b:s17+s2], $0x1000, $0x38;
	[tilespmem:$0x11000] =	vst v63  }
0x2d: {  	_ = 	snop  }
0x2e: {  	[tilespmem:s23], [sflag:$0x1] =	stream.linear.gather [hbm4b:s18+s2], $0x1000, $0x38;
	[tilespmem:$0x11000] =	vst v63  }
0x2f: {  	_ =	swait.ge [sflag:s24], $0x1000  }
0x30: {  	[sflag:s24] =	ssyncset.done $0x0  }
0x31: {  	[sflag:s24] =	ssyncadd.s32 $0xFFFFF000  }
0x32: {  	_ =	swait.ge [sflag:s24], $0x1000  }
0x33: {  	[sflag:s24] =	ssyncset.done $0x0  }
0x34: {  	[sflag:s24] =	ssyncadd.s32 $0xFFFFF000  }
0x35: {  	_ =	swait.ge [sflag:s24], $0x1000  }
0x36: {  	[sflag:s24] =	ssyncset.done $0x0  }
0x37: {  	[sflag:s24] =	ssyncadd.s32 $0xFFFFF000  }
0x38: {  	_ =	swait.ge [sflag:s24], $0x1000  }
0x39: {  	[sflag:s24] =	ssyncset.done $0x0  }
0x3a: {  	[sflag:s24] =	ssyncadd.s32 $0xFFFFF000  }
0x3b: {  	_ =	swait.ge [sflag:s24], $0x1000  }
0x3c: {  	[sflag:s24] =	ssyncset.done $0x0  }
0x3d: {  	[sflag:s24] =	ssyncadd.s32 $0xFFFFF000  }
0x3e: {  	_ =	swait.ge [sflag:s24], $0x1000  }
0x3f: {  	[sflag:s24] =	ssyncset.done $0x0  }
0x40: {  	[sflag:s24] =	ssyncadd.s32 $0xFFFFF000  }
0x41: {  	_ =	swait.ge [sflag:s24], $0x1000  }
0x42: {  	[sflag:s24] =	ssyncset.done $0x0  }
0x43: {  	[sflag:s24] =	ssyncadd.s32 $0xFFFFF000  }
0x44: {  	_ =	swait.ge [sflag:s24], $0x1000  }
0x45: {  	[sflag:s24] =	ssyncset.done $0x0  }
0x46: {  	[sflag:s24] =	ssyncadd.s32 $0xFFFFF000  }
0x47: {  	_ =	swait.ge [sflag:s24], $0x1000  }
0x48: {  	[sflag:s24] =	ssyncset.done $0x0  }
0x49: {  	[sflag:s24] =	ssyncadd.s32 $0xFFFFF000  }
0x4a: {  	_ =	swait.ge [sflag:s24], $0x1000  }
0x4b: {  	[sflag:s24] =	ssyncset.done $0x0  }
0x4c: {  	[sflag:s24] =	ssyncadd.s32 $0xFFFFF000  }
0x4d: {  	_ =	swait.ge [sflag:s24], $0x1000  }
0x4e: {  	[sflag:s24] =	ssyncset.done $0x0  }
0x4f: {  	[sflag:s24] =	ssyncadd.s32 $0xFFFFF000  }
0x50: {  	_ =	swait.ge [sflag:s24], $0x1000  }
0x51: {  	[sflag:s24] =	ssyncset.done $0x0  }
0x52: {  	[sflag:s24] =	ssyncadd.s32 $0xFFFFF000  }
0x53: {  	_ =	swait.ge [sflag:s24], $0x1000  }
0x54: {  	[sflag:s24] =	ssyncset.done $0x0  }
0x55: {  	[sflag:s24] =	ssyncadd.s32 $0xFFFFF000  }
0x56: {  	_ =	swait.ge [sflag:s24], $0x1000  }
0x57: {  	[sflag:s24] =	ssyncset.done $0x0  }
0x58: {  	[sflag:s24] =	ssyncadd.s32 $0xFFFFF000  }
0x59: {  	_ =	swait.ge [sflag:s24], $0x1000  }
0x5a: {  	[sflag:s24] =	ssyncset.done $0x0  }
0x5b: {  	[sflag:s24] =	ssyncadd.s32 $0xFFFFF000  }
0x5c: {  	_ =	swait.ge [sflag:s24], $0x1000  }
0x5d: {  	[sflag:s24] =	ssyncset.done $0x0  }
0x5e: {  	s29 =	simm.s32 $0x0;
	[sflag:s24] =	ssyncadd.s32 $0xFFFFF000  }
0x5f: {  	v0 =	vld [tilespmem:s29+$0x70]  }
0x60: {  	v1 =	vld [tilespmem:s29+$0x1070]  }
0x61: {  	v8 =	vld [tilespmem:s29+$0x0]  }
0x62: {  	v2 =	vld [tilespmem:s29+$0x8070]  }
0x63: {  	v16 =	vld [tilespmem:s29+$0x1000]  }
0x64: {  	v3 =	vld [tilespmem:s29+$0x9070]  }
0x65: {  	v4 =	vld [tilespmem:s29+$0x2070]  }
0x66: {  	v5 =	vld [tilespmem:s29+$0x3070]  }
0x67: {  	v6 =	vld [tilespmem:s29+$0x4070]  }
0x68: {  	v7 =	vld [tilespmem:s29+$0x5070]  }
0x69: {  	v9 =	vld [tilespmem:s29+$0x6070]  }
0x6a: {  	v10 =	vld [tilespmem:s29+$0x7070]  }
0x6b: {  	v18 =	vld [tilespmem:s29+$0x10]  }
0x6c: {  	v19 =	vld [tilespmem:s29+$0x1010]  }
0x6d: {  	v20 =	vld [tilespmem:s29+$0x20]  }
0x6e: {  	v21 =	vld [tilespmem:s29+$0x1020]  }
0x6f: {  	v22 =	vld [tilespmem:s29+$0x30]  }
0x70: {  	v23 =	vld [tilespmem:s29+$0x1030]  }
0x71: {  	v24 =	vld [tilespmem:s29+$0x40]  }
0x72: {  	v25 =	vld [tilespmem:s29+$0x1040]  }
0x73: {  	v13 =	vld [tilespmem:s29+$0x50]  }
0x74: {  	v14 =	vld [tilespmem:s29+$0x1050]  }
0x75: {  	v15 =	vld [tilespmem:s29+$0x60]  }
0x76: {  	v17 =	vld [tilespmem:s29+$0x1060]  }
0x77: {  	v26 =	vld [tilespmem:s29+$0x8000]  }
0x78: {  	v27 =	vld [tilespmem:s29+$0x8010]  }
0x79: {  	v28 =	vld [tilespmem:s29+$0x8020]  }
0x7a: {  	v29 =	vld [tilespmem:s29+$0x8030]  }
0x7b: {  	v30 =	vld [tilespmem:s29+$0x8040]  }
0x7c: {  	v31 =	vld [tilespmem:s29+$0x9000]  }
0x7d: {  	v32 =	vld [tilespmem:s29+$0x9010]  }
0x7e: {  	v33 =	vld [tilespmem:s29+$0x9020]  }
0x7f: {  	v34 =	vld [tilespmem:s29+$0x9030]  }
0x80: {  	v35 =	vld [tilespmem:s29+$0x9040]  }
0x81: {  	v11 =	vld [tilespmem:s29+$0x9050]  }
0x82: {  	v36 =	vld [tilespmem:s29+$0xA000]  }
0x83: {  	v37 =	vld [tilespmem:s29+$0xA010]  }
0x84: {  	v38 =	vld [tilespmem:s29+$0xA020]  }
0x85: {  	v39 =	vld [tilespmem:s29+$0xA030]  }
0x86: {  	v40 =	vld [tilespmem:s29+$0xA040]  }
0x87: {  	v12 =	vld [tilespmem:s29+$0xA050]  }
0x88: {  	v41 =	vld [tilespmem:s29+$0xB000]  }
0x89: {  	v42 =	vld [tilespmem:s29+$0xB010]  }
0x8a: {  	v43 =	vld [tilespmem:s29+$0xB020]  }
0x8b: {  	v44 =	vld [tilespmem:s29+$0xB030]  }
0x8c: {  	v45 =	vld [tilespmem:s29+$0xB040]  }
0x8d: {  	v46 =	vld [tilespmem:s29+$0xC000]  }
0x8e: {  	v47 =	vld [tilespmem:s29+$0xC010]  }
0x8f: {  	v48 =	vld [tilespmem:s29+$0xC020]  }
0x90: {  	v49 =	vld [tilespmem:s29+$0xC030]  }
0x91: {  	v50 =	vld [tilespmem:s29+$0xC040]  }
0x92: {  	v51 =	vld [tilespmem:s29+$0xD000]  }
0x93: {  	v52 =	vld [tilespmem:s29+$0xD010]  }
0x94: {  	v53 =	vld [tilespmem:s29+$0xD020]  }
0x95: {  	v54 =	vld [tilespmem:s29+$0xD030]  }
0x96: {  	v55 =	vld [tilespmem:s29+$0xD040]  }
0x97: {  	v56 =	vld [tilespmem:s29+$0xE000]  }
0x98: {  	v57 =	vld [tilespmem:s29+$0xE010]  }
0x99: {  	v58 =	vld [tilespmem:s29+$0xE020]  }
0x9a: {  	v59 =	vld [tilespmem:s29+$0xE030]  }
0x9b: {  	v60 =	vld [tilespmem:s29+$0x2000]  }
0x9c: {  	v61 =	vld [tilespmem:s29+$0x5000]  }
0x9d: {  	v62 =	vld [tilespmem:s29+$0x6000]  }
0x9e: {  	v0 =	vadd.f32 v1, v0;
	v1 =	vld [tilespmem:s29+$0xA070]  }
0x9f: {  	v8 =	vadd.f32 v16, v8;
	v16 =	vld [tilespmem:s29+$0xE050]  }
0xa0: {  	v20 =	vadd.f32 v21, v20;
	v0 =	vadd.f32 v2, v0;
	v2 =	vld [tilespmem:s29+$0xB070]  }
0xa1: {  	v8 =	vadd.f32 v26, v8;
	v26 =	vld [tilespmem:s29+$0xE040]  }
0xa2: {  	v20 =	vadd.f32 v28, v20;
	v28 =	vld [tilespmem:s29+$0x3010]  }
0xa3: {  	v18 =	vadd.f32 v19, v18;
	v0 =	vadd.f32 v3, v0;
	v3 =	vld [tilespmem:s29+$0xC070]  }
0xa4: {  	v31 =	vadd.f32 v31, v8;
	v8 =	vld [tilespmem:s29+$0xE060]  }
0xa5: {  	v18 =	vadd.f32 v27, v18;
	v20 =	vadd.f32 v33, v20;
	v33 =	vld [tilespmem:s29+$0x5030]  }
0xa6: {  	v0 =	vadd.f32 v1, v0;
	v1 =	vld [tilespmem:s29+$0xD070]  }
0xa7: {  	v18 =	vadd.f32 v32, v18;
	v63 =	vadd.f32 v36, v31;
	v31 =	vld [tilespmem:s29+$0x3000]  }
0xa8: {  	v36 =	vld [tilespmem:s29+$0x4000]  }
0xa9: {  	v18 =	vadd.f32 v37, v18;
	v37 =	vld [tilespmem:s29+$0x2010]  }
0xaa: {  	v20 =	vadd.f32 v38, v20;
	v38 =	vld [tilespmem:s29+$0x7030]  }
0xab: {  	v0 =	vadd.f32 v2, v0;
	v2 =	vld [tilespmem:s29+$0xE070]  }
0xac: {  	v19 =	vadd.f32 v41, v63;
	v63 =	vld [tilespmem:s29+$0x7000]  }
0xad: {  	v41 =	vld [tilespmem:s29+$0x2020]  }
0xae: {  	v20 =	vadd.f32 v43, v20;
	v43 =	vld [tilespmem:s29+$0x4040]  }
0xaf: {  	v18 =	vadd.f32 v42, v18;
	v0 =	vadd.f32 v3, v0;
	v3 =	vld [tilespmem:s29+$0xF070]  }
0xb0: {  	v19 =	vadd.f32 v46, v19;
	v46 =	vld [tilespmem:s29+$0xF000]  }
0xb1: {  	v22 =	vadd.f32 v23, v22;
	v18 =	vadd.f32 v47, v18;
	v47 =	vld [tilespmem:s29+$0x4020]  }
0xb2: {  	v24 =	vadd.f32 v25, v24;
	v31 =	vadd.f32 v31, v60;
	v60 =	vld [tilespmem:s29+$0x5010]  }
0xb3: {  	v27 =	vadd.f32 v61, v36;
	v61 =	vld [tilespmem:s29+$0x6010];
	v0 =	vadd.f32 v1, v0  }
0xb4: {  	v1 =	vadd.f32 v5, v4;
	v4 =	vadd.f32 v10, v9;
	v10 =	vld [tilespmem:s29+$0x8050]  }
0xb5: {  	v13 =	vadd.f32 v14, v13;
	v22 =	vadd.f32 v29, v22;
	v5 =	vld [tilespmem:s29+$0xB050]  }
0xb6: {  	v24 =	vadd.f32 v30, v24;
	v42 =	vadd.f32 v17, v15;
	v9 =	vld [tilespmem:s29+$0xD050]  }
0xb7: {  	v20 =	vadd.f32 v48, v20;
	v19 =	vadd.f32 v51, v19;
	v51 =	vld [tilespmem:s29+$0x5020]  }
0xb8: {  	v28 =	vadd.f32 v28, v37;
	v18 =	vadd.f32 v52, v18;
	v52 =	vld [tilespmem:s29+$0x6020]  }
0xb9: {  	v37 =	vadd.f32 v35, v24;
	v32 =	vadd.f32 v63, v62;
	v62 =	vld [tilespmem:s29+$0x7010]  }
0xba: {  	v20 =	vadd.f32 v53, v20;
	v63 =	vld [tilespmem:s29+$0xF010];
	v0 =	vadd.f32 v2, v0  }
0xbb: {  	v2 =	vadd.f32 v7, v6;
	v7 =	vld [tilespmem:s29+$0xC050];
	v19 =	vadd.f32 v56, v19  }
0xbc: {  	v56 =	vld [tilespmem:s29+$0x4010];
	v18 =	vadd.f32 v57, v18;
	v20 =	vadd.f32 v58, v20  }
0xbd: {  	v6 =	vld [tilespmem:s29+$0xD060];
	v27 =	vadd.f32 v32, v27;
	v0 =	vadd.f32 v3, v0  }
0xbe: {  	v57 =	vld [tilespmem:s29+$0x7020];
	v19 =	vadd.f32 v46, v19;
	v10 =	vadd.f32 v10, v13  }
0xbf: {  	v3 =	vld [tilespmem:s29+$0x8060];
	v0 =	vadd.f32 v0, v1;
	v1 =	vadd.f32 v4, v2  }
0xc0: {  	v46 =	vld [tilespmem:s29+$0x3020];
	v19 =	vadd.f32 v19, v31;
	v21 =	vadd.f32 v62, v61  }
0xc1: {  	v4 =	vld [tilespmem:s29+$0x9060];
	v18 =	vadd.f32 v63, v18;
	v36 =	vadd.f32 v60, v56  }
0xc2: {  	v61 =	vld [tilespmem:s29+$0x2030];
	v56 =	vadd.f32 v34, v22;
	v34 =	vadd.f32 v51, v47  }
0xc3: {  	v62 =	vld [tilespmem:s29+$0x3030];
	v22 =	vadd.f32 v57, v52;
	v10 =	vadd.f32 v11, v10  }
0xc4: {  	v63 =	vld [tilespmem:s29+$0x4030];
	v0 =	vadd.f32 v0, v1;
	v19 =	vadd.f32 v19, v27  }
0xc5: {  	v60 =	vld [tilespmem:s29+$0xF020];
	v18 =	vadd.f32 v18, v28;
	v21 =	vadd.f32 v21, v36  }
0xc6: {  	v47 =	vld [tilespmem:s29+$0x5040];
	v23 =	vadd.f32 v46, v41;
	v22 =	vadd.f32 v22, v34  }
0xc7: {  	v2 =	vld [tilespmem:s29+$0xC060];
	v3 =	vadd.f32 v3, v42;
	v0 =	vmul.f32 $6.250000000e-02, v0;
	v18 =	vadd.f32 v18, v21  }
0xc8: {  	v36 =	vld [tilespmem:s29+$0x6030];
	v10 =	vadd.f32 v12, v10;
	v19 =	vmul.f32 $6.250000000e-02, v19;
	v21 =	vadd.f32 v62, v61  }
0xc9: {  	v52 =	vld [tilespmem:s29+$0x7040];
	v48 =	vadd.f32 v33, v63;
	v3 =	vadd.f32 v4, v3;
	[tilespmem:s29+$0x10070] =	vst v0;
	v18 =	vmul.f32 $6.250000000e-02, v18  }
0xca: {  	v0 =	vld [tilespmem:s29+$0xA060];
	[tilespmem:s29+$0x10000] =	vst v19;
	v19 =	vadd.f32 v39, v56;
	v20 =	vadd.f32 v60, v20  }
0xcb: {  	v1 =	vld [tilespmem:s29+$0xB060];
	v15 =	vadd.f32 v47, v43;
	[tilespmem:s29+$0x10010] =	vst v18;
	v18 =	vadd.f32 v40, v37  }
0xcc: {  	v41 =	vld [tilespmem:s29+$0x3040];
	v19 =	vadd.f32 v44, v19;
	v20 =	vadd.f32 v20, v23  }
0xcd: {  	v39 =	vld [tilespmem:s29+$0xF030];
	v24 =	vadd.f32 v38, v36;
	v44 =	vadd.f32 v45, v18  }
0xce: {  	v40 =	vld [tilespmem:s29+$0x2040];
	v19 =	vadd.f32 v49, v19;
	v20 =	vadd.f32 v20, v22  }
0xcf: {  	v49 =	vld [tilespmem:s29+$0x6040];
	v0 =	vadd.f32 v0, v3;
	v51 =	vadd.f32 v50, v44  }
0xd0: {  	v3 =	vadd.f32 v5, v10;
	v19 =	vadd.f32 v54, v19;
	v54 =	vld [tilespmem:s29+$0xF040]  }
0xd1: {  	v11 =	vld [tilespmem:s29+$0x2050];
	v53 =	vadd.f32 v24, v48;
	v13 =	vadd.f32 v55, v51  }
0xd2: {  	v4 =	vld [tilespmem:s29+$0x4050];
	v0 =	vadd.f32 v1, v0;
	v1 =	vadd.f32 v7, v3  }
0xd3: {  	v56 =	vld [tilespmem:s29+$0x3050];
	v45 =	vadd.f32 v59, v19;
	v57 =	vadd.f32 v26, v13  }
0xd4: {  	v61 =	vld [tilespmem:s29+$0x6050];
	v60 =	vadd.f32 v41, v40;
	v17 =	vadd.f32 v52, v49  }
0xd5: {  	v62 =	vld [tilespmem:s29+$0xF050];
	v18 =	vadd.f32 v39, v45;
	v12 =	vadd.f32 v54, v57  }
0xd6: {  	v5 =	vld [tilespmem:s29+$0x7050];
	v0 =	vadd.f32 v2, v0;
	v10 =	vadd.f32 v17, v15  }
0xd7: {  	v59 =	vld [tilespmem:s29+$0x5050];
	v18 =	vadd.f32 v18, v21;
	v12 =	vadd.f32 v12, v60  }
0xd8: {  	v63 =	vld [tilespmem:s29+$0x2060];
	v1 =	vadd.f32 v9, v1;
	v9 =	vadd.f32 v56, v11  }
0xd9: {  	v2 =	vld [tilespmem:s29+$0x4060];
	v55 =	vadd.f32 v18, v53;
	v3 =	vadd.f32 v12, v10  }
0xda: {  	v46 =	vmul.f32 $6.250000000e-02, v20;
	v0 =	vadd.f32 v6, v0;
	v6 =	vadd.f32 v16, v1;
	v10 =	vld [tilespmem:s29+$0x3060]  }
0xdb: {  	v5 =	vadd.f32 v5, v61;
	v58 =	vmul.f32 $6.250000000e-02, v55;
	v7 =	vmul.f32 $6.250000000e-02, v3;
	v3 =	vld [tilespmem:s29+$0x5060]  }
0xdc: {  	[tilespmem:s29+$0x10020] =	vst v46;
	v1 =	vld [tilespmem:s29+$0x6060];
	v4 =	vadd.f32 v59, v4;
	v11 =	vadd.f32 v62, v6  }
0xdd: {  	v6 =	vld [tilespmem:s29+$0x7060];
	v0 =	vadd.f32 v8, v0;
	[tilespmem:s29+$0x10030] =	vst v58  }
0xde: {  	s31 =	simm.s32 $0x80;
	v8 =	vadd.f32 v5, v4;
	v9 =	vadd.f32 v11, v9;
	[tilespmem:s29+$0x10040] =	vst v7;
	v7 =	vld [tilespmem:s29+$0xF060]  }
0xdf: {  	s30 =	simm.s32 $0x400;
	v4 =	vadd.f32 v10, v63;
	v5 =	vld [tilespmem:s31+$0x70]  }
.LBB2_2:
0xe0: {  	p0 =	sne.s32 s30, $0x3E00;
	v10 =	vld [tilespmem:s31+$0x1070];
	v8 =	vadd.f32 v9, v8;
	v2 =	vadd.f32 v3, v2  }
0xe1: {  	v3 =	vld [tilespmem:s31+$0x0]  }
0xe2: {  	v9 =	vld [tilespmem:s31+$0x8070];
	v8 =	vmul.f32 $6.250000000e-02, v8;
	v1 =	vadd.f32 v6, v1  }
0xe3: {  	v6 =	vld [tilespmem:s31+$0x1000];
	v0 =	vadd.f32 v7, v0  }
0xe4: {  	v7 =	vld [tilespmem:s31+$0x9070];
	[tilespmem:s29+$0x10050] =	vst v8;
	v1 =	vadd.f32 v1, v2  }
0xe5: {  	v2 =	vadd.f32 v10, v5;
	v5 =	vld [tilespmem:s31+$0x2070];
	v0 =	vadd.f32 v0, v4  }
0xe6: {  	v4 =	vld [tilespmem:s31+$0xA070]  }
0xe7: {  	v8 =	vld [tilespmem:s31+$0x3070];
	v2 =	vadd.f32 v9, v2;
	v0 =	vadd.f32 v0, v1  }
0xe8: {  	v1 =	vadd.f32 v6, v3;
	v3 =	vld [tilespmem:s31+$0xB070]  }
0xe9: {  	v6 =	vld [tilespmem:s31+$0x4070];
	v2 =	vadd.f32 v7, v2;
	v0 =	vmul.f32 $6.250000000e-02, v0  }
0xea: {  	v7 =	vld [tilespmem:s31+$0xC070]  }
0xeb: {  	v9 =	vld [tilespmem:s31+$0x5070];
	v2 =	vadd.f32 v4, v2;
	[tilespmem:s29+$0x10060] =	vst v0;
	s29 =	smov.u32 s31  }
0xec: {  	v0 =	vld [tilespmem:s29+$0xD070]  }
0xed: {  	v4 =	vld [tilespmem:s29+$0x6070];
	v2 =	vadd.f32 v3, v2  }
0xee: {  	v3 =	vld [tilespmem:s29+$0xE070]  }
0xef: {  	v10 =	vld [tilespmem:s29+$0x7070];
	v2 =	vadd.f32 v7, v2  }
0xf0: {  	v7 =	vld [tilespmem:s29+$0xF070]  }
0xf1: {  	v11 =	vld [tilespmem:s29+$0x10];
	v0 =	vadd.f32 v0, v2  }
0xf2: {  	v2 =	vld [tilespmem:s29+$0x1010]  }
0xf3: {  	v12 =	vld [tilespmem:s29+$0x20];
	v0 =	vadd.f32 v3, v0  }
0xf4: {  	v5 =	vadd.f32 v8, v5;
	v6 =	vadd.f32 v9, v6;
	v3 =	vld [tilespmem:s29+$0x1020]  }
0xf5: {  	v4 =	vadd.f32 v10, v4;
	v8 =	vld [tilespmem:s29+$0x30];
	v0 =	vadd.f32 v7, v0  }
0xf6: {  	v7 =	vld [tilespmem:s29+$0x1030]  }
0xf7: {  	v4 =	vadd.f32 v4, v6;
	v9 =	vld [tilespmem:s29+$0x40];
	v0 =	vadd.f32 v0, v5  }
0xf8: {  	v2 =	vadd.f32 v2, v11;
	v5 =	vld [tilespmem:s29+$0x1040]  }
0xf9: {  	v3 =	vadd.f32 v3, v12;
	v6 =	vld [tilespmem:s29+$0x50];
	v0 =	vadd.f32 v0, v4  }
0xfa: {  	v4 =	vld [tilespmem:s29+$0x1050]  }
0xfb: {  	v7 =	vadd.f32 v7, v8;
	v8 =	vld [tilespmem:s29+$0x60];
	v0 =	vmul.f32 $6.250000000e-02, v0  }
0xfc: {  	v10 =	vld [tilespmem:s29+$0x1060]  }
0xfd: {  	v11 =	vld [tilespmem:s29+$0x8000];
	v5 =	vadd.f32 v5, v9;
	[tilespmem:s29+$0x10070] =	vst v0  }
0xfe: {  	v0 =	vld [tilespmem:s29+$0x8010]  }
0xff: {  	v9 =	vld [tilespmem:s29+$0x8020];
	v4 =	vadd.f32 v4, v6  }
0x100: {  	v6 =	vld [tilespmem:s29+$0x8030]  }
0x101: {  	v12 =	vld [tilespmem:s29+$0x8040];
	v8 =	vadd.f32 v10, v8  }
0x102: {  	v1 =	vadd.f32 v11, v1;
	v10 =	vld [tilespmem:s29+$0x8050]  }
0x103: {  	v0 =	vadd.f32 v0, v2;
	v2 =	vld [tilespmem:s29+$0x8060]  }
0x104: {  	v11 =	vld [tilespmem:s29+$0x9000];
	v3 =	vadd.f32 v9, v3  }
0x105: {  	v9 =	vld [tilespmem:s29+$0x9010];
	v6 =	vadd.f32 v6, v7  }
0x106: {  	v7 =	vld [tilespmem:s29+$0x9020];
	v5 =	vadd.f32 v12, v5  }
0x107: {  	v12 =	vld [tilespmem:s29+$0x9030];
	v4 =	vadd.f32 v10, v4  }
0x108: {  	v10 =	vld [tilespmem:s29+$0x9040];
	v2 =	vadd.f32 v2, v8  }
0x109: {  	v1 =	vadd.f32 v11, v1;
	v8 =	vld [tilespmem:s29+$0x9050]  }
0x10a: {  	v0 =	vadd.f32 v9, v0;
	v9 =	vld [tilespmem:s29+$0x9060]  }
0x10b: {  	v11 =	vld [tilespmem:s29+$0xA000];
	v3 =	vadd.f32 v7, v3  }
0x10c: {  	v7 =	vld [tilespmem:s29+$0xA010];
	v6 =	vadd.f32 v12, v6  }
0x10d: {  	v12 =	vld [tilespmem:s29+$0xA020];
	v5 =	vadd.f32 v10, v5  }
0x10e: {  	v10 =	vld [tilespmem:s29+$0xA030];
	v4 =	vadd.f32 v8, v4  }
0x10f: {  	v8 =	vld [tilespmem:s29+$0xA040];
	v2 =	vadd.f32 v9, v2  }
0x110: {  	v1 =	vadd.f32 v11, v1;
	v9 =	vld [tilespmem:s29+$0xA050]  }
0x111: {  	v0 =	vadd.f32 v7, v0;
	v7 =	vld [tilespmem:s29+$0xA060]  }
0x112: {  	v11 =	vld [tilespmem:s29+$0xB000];
	v3 =	vadd.f32 v12, v3  }
0x113: {  	v12 =	vld [tilespmem:s29+$0xB010];
	v6 =	vadd.f32 v10, v6  }
0x114: {  	v10 =	vld [tilespmem:s29+$0xB020];
	v5 =	vadd.f32 v8, v5  }
0x115: {  	v8 =	vld [tilespmem:s29+$0xB030];
	v4 =	vadd.f32 v9, v4  }
0x116: {  	v9 =	vld [tilespmem:s29+$0xB040];
	v2 =	vadd.f32 v7, v2  }
0x117: {  	v1 =	vadd.f32 v11, v1;
	v7 =	vld [tilespmem:s29+$0xB050]  }
0x118: {  	v0 =	vadd.f32 v12, v0;
	v11 =	vld [tilespmem:s29+$0xB060]  }
0x119: {  	v12 =	vld [tilespmem:s29+$0xC000];
	v3 =	vadd.f32 v10, v3  }
0x11a: {  	v10 =	vld [tilespmem:s29+$0xC010];
	v6 =	vadd.f32 v8, v6  }
0x11b: {  	v8 =	vld [tilespmem:s29+$0xC020];
	v5 =	vadd.f32 v9, v5  }
0x11c: {  	v9 =	vld [tilespmem:s29+$0xC030];
	v4 =	vadd.f32 v7, v4  }
0x11d: {  	v7 =	vld [tilespmem:s29+$0xC040];
	v2 =	vadd.f32 v11, v2  }
0x11e: {  	v1 =	vadd.f32 v12, v1;
	v11 =	vld [tilespmem:s29+$0xC050]  }
0x11f: {  	v0 =	vadd.f32 v10, v0;
	v10 =	vld [tilespmem:s29+$0xC060]  }
0x120: {  	v12 =	vld [tilespmem:s29+$0xD000];
	v3 =	vadd.f32 v8, v3  }
0x121: {  	v8 =	vld [tilespmem:s29+$0xD010];
	v6 =	vadd.f32 v9, v6  }
0x122: {  	v9 =	vld [tilespmem:s29+$0xD020];
	v5 =	vadd.f32 v7, v5  }
0x123: {  	v7 =	vld [tilespmem:s29+$0xD030];
	v4 =	vadd.f32 v11, v4  }
0x124: {  	v11 =	vld [tilespmem:s29+$0xD040];
	v2 =	vadd.f32 v10, v2  }
0x125: {  	v1 =	vadd.f32 v12, v1;
	v10 =	vld [tilespmem:s29+$0xD050]  }
0x126: {  	v0 =	vadd.f32 v8, v0;
	v8 =	vld [tilespmem:s29+$0xD060]  }
0x127: {  	v12 =	vld [tilespmem:s29+$0xE000];
	v3 =	vadd.f32 v9, v3  }
0x128: {  	v9 =	vld [tilespmem:s29+$0xE010];
	v6 =	vadd.f32 v7, v6  }
0x129: {  	v7 =	vld [tilespmem:s29+$0xE020];
	v5 =	vadd.f32 v11, v5  }
0x12a: {  	v11 =	vld [tilespmem:s29+$0xE030];
	v4 =	vadd.f32 v10, v4  }
0x12b: {  	v10 =	vld [tilespmem:s29+$0xE040];
	v2 =	vadd.f32 v8, v2  }
0x12c: {  	v8 =	vadd.f32 v12, v1;
	v1 =	vld [tilespmem:s29+$0xE050]  }
0x12d: {  	v9 =	vadd.f32 v9, v0;
	v0 =	vld [tilespmem:s29+$0xE060]  }
0x12e: {  	v12 =	vld [tilespmem:s29+$0x2000];
	v3 =	vadd.f32 v7, v3  }
0x12f: {  	v7 =	vld [tilespmem:s29+$0x3000];
	v6 =	vadd.f32 v11, v6  }
0x130: {  	v11 =	vld [tilespmem:s29+$0x4000];
	v5 =	vadd.f32 v10, v5  }
0x131: {  	v10 =	vld [tilespmem:s29+$0x5000];
	v1 =	vadd.f32 v1, v4  }
0x132: {  	v4 =	vld [tilespmem:s29+$0x6000];
	v0 =	vadd.f32 v0, v2  }
0x133: {  	v2 =	vld [tilespmem:s29+$0x7000]  }
0x134: {  	v7 =	vadd.f32 v7, v12;
	v12 =	vld [tilespmem:s29+$0xF000]  }
0x135: {  	v13 =	vld [tilespmem:s29+$0x2010]  }
0x136: {  	v10 =	vadd.f32 v10, v11;
	v11 =	vld [tilespmem:s29+$0x3010]  }
0x137: {  	v14 =	vld [tilespmem:s29+$0x4010]  }
0x138: {  	v2 =	vadd.f32 v2, v4;
	v4 =	vld [tilespmem:s29+$0x5010]  }
0x139: {  	v8 =	vadd.f32 v12, v8;
	v12 =	vld [tilespmem:s29+$0x6010]  }
0x13a: {  	v2 =	vadd.f32 v2, v10;
	v10 =	vld [tilespmem:s29+$0x7010]  }
0x13b: {  	v7 =	vadd.f32 v8, v7;
	v8 =	vadd.f32 v11, v13;
	v11 =	vld [tilespmem:s29+$0xF010]  }
0x13c: {  	v13 =	vld [tilespmem:s29+$0x2020]  }
0x13d: {  	v2 =	vadd.f32 v7, v2;
	v4 =	vadd.f32 v4, v14;
	v7 =	vld [tilespmem:s29+$0x3020]  }
0x13e: {  	v14 =	vld [tilespmem:s29+$0x4020]  }
0x13f: {  	v2 =	vmul.f32 $6.250000000e-02, v2;
	v10 =	vadd.f32 v10, v12;
	v12 =	vld [tilespmem:s29+$0x5020]  }
0x140: {  	v9 =	vadd.f32 v11, v9;
	v11 =	vld [tilespmem:s29+$0x6020]  }
0x141: {  	[tilespmem:s29+$0x10000] =	vst v2;
	v2 =	vadd.f32 v10, v4;
	v4 =	vld [tilespmem:s29+$0x7020]  }
0x142: {  	v8 =	vadd.f32 v9, v8;
	v7 =	vadd.f32 v7, v13;
	v9 =	vld [tilespmem:s29+$0xF020]  }
0x143: {  	v10 =	vld [tilespmem:s29+$0x2030]  }
0x144: {  	v2 =	vadd.f32 v8, v2;
	v8 =	vadd.f32 v12, v14;
	v12 =	vld [tilespmem:s29+$0x3030]  }
0x145: {  	v13 =	vld [tilespmem:s29+$0x4030]  }
0x146: {  	v2 =	vmul.f32 $6.250000000e-02, v2;
	v4 =	vadd.f32 v4, v11;
	v11 =	vld [tilespmem:s29+$0x5030]  }
0x147: {  	v3 =	vadd.f32 v9, v3;
	v9 =	vld [tilespmem:s29+$0x6030]  }
0x148: {  	[tilespmem:s29+$0x10010] =	vst v2;
	v2 =	vadd.f32 v4, v8;
	v4 =	vld [tilespmem:s29+$0x7030]  }
0x149: {  	v3 =	vadd.f32 v3, v7;
	v7 =	vadd.f32 v12, v10;
	v8 =	vld [tilespmem:s29+$0xF030]  }
0x14a: {  	v10 =	vld [tilespmem:s29+$0x2040]  }
0x14b: {  	v2 =	vadd.f32 v3, v2;
	v3 =	vadd.f32 v11, v13;
	v11 =	vld [tilespmem:s29+$0x3040]  }
0x14c: {  	v12 =	vld [tilespmem:s29+$0x4040]  }
0x14d: {  	v2 =	vmul.f32 $6.250000000e-02, v2;
	v4 =	vadd.f32 v4, v9;
	v9 =	vld [tilespmem:s29+$0x5040]  }
0x14e: {  	v6 =	vadd.f32 v8, v6;
	v8 =	vld [tilespmem:s29+$0x6040]  }
0x14f: {  	[tilespmem:s29+$0x10020] =	vst v2;
	v2 =	vadd.f32 v4, v3;
	v3 =	vld [tilespmem:s29+$0x7040]  }
0x150: {  	v4 =	vadd.f32 v6, v7;
	v6 =	vadd.f32 v11, v10;
	v7 =	vld [tilespmem:s29+$0xF040]  }
0x151: {  	v10 =	vld [tilespmem:s29+$0x2050]  }
0x152: {  	v2 =	vadd.f32 v4, v2;
	v4 =	vadd.f32 v9, v12;
	v9 =	vld [tilespmem:s29+$0x3050]  }
0x153: {  	v11 =	vld [tilespmem:s29+$0x4050]  }
0x154: {  	v2 =	vmul.f32 $6.250000000e-02, v2;
	v3 =	vadd.f32 v3, v8;
	v8 =	vld [tilespmem:s29+$0x5050]  }
0x155: {  	v5 =	vadd.f32 v7, v5;
	v7 =	vld [tilespmem:s29+$0x6050]  }
0x156: {  	[tilespmem:s29+$0x10030] =	vst v2;
	v2 =	vadd.f32 v3, v4;
	v3 =	vld [tilespmem:s29+$0x7050]  }
0x157: {  	v4 =	vadd.f32 v5, v6;
	v5 =	vadd.f32 v9, v10;
	v6 =	vld [tilespmem:s29+$0xF050]  }
0x158: {  	v10 =	vld [tilespmem:s29+$0x2060]  }
0x159: {  	v4 =	vadd.f32 v4, v2;
	v8 =	vadd.f32 v8, v11;
	v11 =	vld [tilespmem:s29+$0x3060]  }
0x15a: {  	v2 =	vld [tilespmem:s29+$0x4060]  }
.Ltmp0:
0x15b: {  	v4 =	vmul.f32 $6.250000000e-02, v4;
	v7 =	vadd.f32 v3, v7;
	v3 =	vld [tilespmem:s29+$0x5060];
	(pc) =	sbr.rel @p0 .LBB2_2-.Ltmp0, $4  }
0x15c: {  	v9 =	vadd.f32 v6, v1;
	v1 =	vld [tilespmem:s29+$0x6060]  }
0x15d: {  	[tilespmem:s29+$0x10040] =	vst v4;
	v8 =	vadd.f32 v7, v8;
	v6 =	vld [tilespmem:s29+$0x7060]  }
0x15e: {  	s31 =	sshra.s32 s30, $0x2;
	v9 =	vadd.f32 v9, v5;
	v4 =	vadd.f32 v11, v10;
	v7 =	vld [tilespmem:s29+$0xF060]  }
0x15f: {  	s30 =	sadd.s32 $0x200, s30;
	v5 =	vld [tilespmem:s31+$0x70]  }
0x160: {  	v10 =	vld [tilespmem:s31+$0x1070];
	v8 =	vadd.f32 v9, v8  }
0x161: {  	v16 =	vld [tilespmem:s31+$0x0]  }
0x162: {  	v46 =	vld [tilespmem:s31+$0x8070];
	v2 =	vadd.f32 v3, v2;
	v8 =	vmul.f32 $6.250000000e-02, v8  }
0x163: {  	v17 =	vld [tilespmem:s31+$0x1000];
	v1 =	vadd.f32 v6, v1;
	v0 =	vadd.f32 v7, v0  }
0x164: {  	v47 =	vld [tilespmem:s31+$0x9070];
	[tilespmem:s29+$0x10050] =	vst v8  }
0x165: {  	v1 =	vadd.f32 v1, v2;
	v48 =	vld [tilespmem:s31+$0x2070];
	v0 =	vadd.f32 v0, v4  }
0x166: {  	v49 =	vld [tilespmem:s31+$0xA070]  }
0x167: {  	v51 =	vld [tilespmem:s31+$0x3070];
	v0 =	vadd.f32 v0, v1  }
0x168: {  	v52 =	vld [tilespmem:s31+$0xB070]  }
0x169: {  	v53 =	vld [tilespmem:s31+$0x4070];
	v0 =	vmul.f32 $6.250000000e-02, v0  }
0x16a: {  	v8 =	vld [tilespmem:s31+$0xC070]  }
0x16b: {  	v54 =	vld [tilespmem:s31+$0x5070];
	[tilespmem:s29+$0x10060] =	vst v0  }
0x16c: {  	v56 =	vld [tilespmem:s31+$0xD070]  }
0x16d: {  	v57 =	vld [tilespmem:s31+$0x6070]  }
0x16e: {  	v58 =	vld [tilespmem:s31+$0xE070]  }
0x16f: {  	v59 =	vld [tilespmem:s31+$0x7070]  }
0x170: {  	v60 =	vld [tilespmem:s31+$0xF070]  }
0x171: {  	v18 =	vld [tilespmem:s31+$0x10]  }
0x172: {  	v19 =	vld [tilespmem:s31+$0x1010]  }
0x173: {  	v20 =	vld [tilespmem:s31+$0x20]  }
0x174: {  	v21 =	vld [tilespmem:s31+$0x1020]  }
0x175: {  	v50 =	vadd.f32 v10, v5;
	v22 =	vld [tilespmem:s31+$0x30]  }
0x176: {  	v23 =	vld [tilespmem:s31+$0x1030]  }
0x177: {  	v4 =	vadd.f32 v46, v50;
	v24 =	vld [tilespmem:s31+$0x40]  }
0x178: {  	v25 =	vld [tilespmem:s31+$0x1040]  }
0x179: {  	v3 =	vadd.f32 v47, v4;
	v4 =	vld [tilespmem:s31+$0x60]  }
0x17a: {  	v7 =	vld [tilespmem:s31+$0x1060]  }
0x17b: {  	v26 =	vld [tilespmem:s31+$0x8000]  }
0x17c: {  	v27 =	vld [tilespmem:s31+$0x8010]  }
0x17d: {  	v28 =	vld [tilespmem:s31+$0x8020]  }
0x17e: {  	v29 =	vld [tilespmem:s31+$0x8030]  }
0x17f: {  	v30 =	vld [tilespmem:s31+$0x8040]  }
0x180: {  	v11 =	vld [tilespmem:s31+$0x8050]  }
0x181: {  	v10 =	vld [tilespmem:s31+$0x8060]  }
0x182: {  	v31 =	vld [tilespmem:s31+$0x9000]  }
0x183: {  	v32 =	vld [tilespmem:s31+$0x9010]  }
0x184: {  	v33 =	vld [tilespmem:s31+$0x9020]  }
0x185: {  	v34 =	vld [tilespmem:s31+$0x9030]  }
0x186: {  	v35 =	vld [tilespmem:s31+$0x9040]  }
0x187: {  	v36 =	vld [tilespmem:s31+$0xA000]  }
0x188: {  	v37 =	vld [tilespmem:s31+$0xA010]  }
0x189: {  	v38 =	vld [tilespmem:s31+$0xA020]  }
0x18a: {  	v39 =	vld [tilespmem:s31+$0xA030]  }
0x18b: {  	v40 =	vld [tilespmem:s31+$0xA040]  }
0x18c: {  	v5 =	vld [tilespmem:s31+$0xA050]  }
0x18d: {  	v6 =	vld [tilespmem:s31+$0xA060]  }
0x18e: {  	v41 =	vld [tilespmem:s31+$0xB000]  }
0x18f: {  	v42 =	vld [tilespmem:s31+$0xB010]  }
0x190: {  	v43 =	vld [tilespmem:s31+$0xB020]  }
0x191: {  	v44 =	vld [tilespmem:s31+$0xB030]  }
0x192: {  	v45 =	vld [tilespmem:s31+$0xB040]  }
0x193: {  	v9 =	vld [tilespmem:s31+$0xB060]  }
0x194: {  	v46 =	vld [tilespmem:s31+$0xC000]  }
0x195: {  	v47 =	vld [tilespmem:s31+$0xC010]  }
0x196: {  	v61 =	vadd.f32 v51, v48;
	v48 =	vld [tilespmem:s31+$0xC020]  }
0x197: {  	v55 =	vadd.f32 v49, v3;
	v49 =	vld [tilespmem:s31+$0xC030]  }
0x198: {  	v50 =	vld [tilespmem:s31+$0xC040]  }
0x199: {  	v12 =	vld [tilespmem:s31+$0xC050]  }
0x19a: {  	v13 =	vld [tilespmem:s31+$0xC060]  }
0x19b: {  	v51 =	vld [tilespmem:s31+$0xD000]  }
0x19c: {  	v62 =	vadd.f32 v54, v53;
	v53 =	vld [tilespmem:s31+$0xD020]  }
0x19d: {  	v54 =	vld [tilespmem:s31+$0xD030]  }
0x19e: {  	v14 =	vld [tilespmem:s31+$0xD050]  }
0x19f: {  	v15 =	vld [tilespmem:s31+$0xD060];
	v0 =	vadd.f32 v52, v55  }
0x1a0: {  	v52 =	vld [tilespmem:s31+$0xD010]  }
0x1a1: {  	v55 =	vld [tilespmem:s31+$0xD040];
	v0 =	vadd.f32 v8, v0  }
0x1a2: {  	v8 =	vld [tilespmem:s31+$0xB050]  }
0x1a3: {  	v0 =	vadd.f32 v56, v0;
	v56 =	vld [tilespmem:s31+$0xE000]  }
0x1a4: {  	v16 =	vadd.f32 v17, v16;
	v3 =	vadd.f32 v59, v57;
	v57 =	vld [tilespmem:s31+$0xE010]  }
0x1a5: {  	v59 =	vld [tilespmem:s31+$0xE030]  }
0x1a6: {  	v17 =	vadd.f32 v26, v16;
	v26 =	vld [tilespmem:s31+$0xE040]  }
0x1a7: {  	v16 =	vld [tilespmem:s31+$0xE050]  }
0x1a8: {  	v2 =	vadd.f32 v3, v62;
	v3 =	vld [tilespmem:s31+$0x1050]  }
0x1a9: {  	v18 =	vadd.f32 v19, v18;
	v0 =	vadd.f32 v58, v0;
	v58 =	vld [tilespmem:s31+$0xE020]  }
0x1aa: {  	v31 =	vadd.f32 v31, v17;
	v17 =	vld [tilespmem:s31+$0xE060]  }
0x1ab: {  	v20 =	vadd.f32 v21, v20;
	v18 =	vadd.f32 v27, v18;
	v27 =	vld [tilespmem:s31+$0x5000]  }
0x1ac: {  	v62 =	vld [tilespmem:s31+$0x7000]  }
0x1ad: {  	v20 =	vadd.f32 v28, v20;
	v28 =	vld [tilespmem:s31+$0x3010]  }
0x1ae: {  	v0 =	vadd.f32 v60, v0;
	v60 =	vld [tilespmem:s31+$0x2000]  }
0x1af: {  	v63 =	vadd.f32 v36, v31;
	v31 =	vld [tilespmem:s31+$0x3000]  }
0x1b0: {  	v36 =	vld [tilespmem:s31+$0x4000]  }
0x1b1: {  	v1 =	vadd.f32 v0, v61;
	v0 =	vld [tilespmem:s31+$0x50]  }
0x1b2: {  	v18 =	vadd.f32 v32, v18;
	v61 =	vld [tilespmem:s31+$0x6000]  }
0x1b3: {  	v19 =	vadd.f32 v41, v63;
	v63 =	vld [tilespmem:s31+$0xF000]  }
0x1b4: {  	v20 =	vadd.f32 v33, v20;
	v18 =	vadd.f32 v37, v18;
	v37 =	vld [tilespmem:s31+$0x2010]  }
0x1b5: {  	v41 =	vld [tilespmem:s31+$0x6020]  }
0x1b6: {  	v20 =	vadd.f32 v38, v20;
	v38 =	vld [tilespmem:s31+$0x6040]  }
0x1b7: {  	v1 =	vadd.f32 v1, v2;
	v2 =	vld [tilespmem:s31+$0x9060]  }
0x1b8: {  	v18 =	vadd.f32 v42, v18;
	v42 =	vld [tilespmem:s31+$0x4010]  }
0x1b9: {  	v19 =	vadd.f32 v46, v19;
	v46 =	vld [tilespmem:s31+$0x6010]  }
0x1ba: {  	v22 =	vadd.f32 v23, v22;
	v20 =	vadd.f32 v43, v20;
	v43 =	vld [tilespmem:s31+$0x7020]  }
0x1bb: {  	v24 =	vadd.f32 v25, v24;
	v27 =	vadd.f32 v27, v36;
	v36 =	vld [tilespmem:s31+$0x5010]  }
0x1bc: {  	v22 =	vadd.f32 v29, v22;
	v31 =	vadd.f32 v31, v60;
	v60 =	vld [tilespmem:s31+$0x2020]  }
0x1bd: {  	v24 =	vadd.f32 v30, v24;
	v19 =	vadd.f32 v51, v19;
	v51 =	vld [tilespmem:s31+$0x7010]  }
0x1be: {  	v18 =	vadd.f32 v47, v18;
	v20 =	vadd.f32 v48, v20;
	v47 =	vld [tilespmem:s31+$0x2030]  }
0x1bf: {  	v48 =	vld [tilespmem:s31+$0x3030];
	v32 =	vadd.f32 v62, v61;
	v28 =	vadd.f32 v28, v37  }
0x1c0: {  	v1 =	vmul.f32 $6.250000000e-02, v1;
	v61 =	vld [tilespmem:s31+$0x3020];
	v0 =	vadd.f32 v3, v0;
	v19 =	vadd.f32 v56, v19  }
0x1c1: {  	v62 =	vld [tilespmem:s31+$0x4020];
	v18 =	vadd.f32 v52, v18;
	v20 =	vadd.f32 v53, v20  }
0x1c2: {  	[tilespmem:s31+$0x10070] =	vst v1;
	v1 =	vld [tilespmem:s31+$0x9050];
	v27 =	vadd.f32 v32, v27;
	v0 =	vadd.f32 v11, v0  }
0x1c3: {  	v56 =	vld [tilespmem:s31+$0xF010];
	v19 =	vadd.f32 v63, v19;
	v18 =	vadd.f32 v57, v18  }
0x1c4: {  	v52 =	vld [tilespmem:s31+$0x5030];
	v36 =	vadd.f32 v36, v42;
	v42 =	vadd.f32 v34, v22  }
0x1c5: {  	v63 =	vld [tilespmem:s31+$0x5020];
	v20 =	vadd.f32 v58, v20;
	v22 =	vadd.f32 v43, v41  }
0x1c6: {  	v57 =	vadd.f32 v35, v24;
	v21 =	vadd.f32 v51, v46;
	v46 =	vld [tilespmem:s31+$0xF020]  }
0x1c7: {  	v51 =	vld [tilespmem:s31+$0x4030];
	v19 =	vadd.f32 v19, v31;
	v23 =	vadd.f32 v61, v60  }
0x1c8: {  	v58 =	vld [tilespmem:s31+$0x7030];
	v18 =	vadd.f32 v56, v18;
	v21 =	vadd.f32 v21, v36  }
0x1c9: {  	v41 =	vld [tilespmem:s31+$0xF040];
	v0 =	vadd.f32 v1, v0;
	v19 =	vadd.f32 v19, v27  }
0x1ca: {  	v56 =	vld [tilespmem:s31+$0x6030];
	v18 =	vadd.f32 v18, v28;
	v53 =	vadd.f32 v63, v62  }
0x1cb: {  	v43 =	vld [tilespmem:s31+$0x2050];
	v0 =	vadd.f32 v5, v0;
	v20 =	vadd.f32 v46, v20  }
0x1cc: {  	v60 =	vld [tilespmem:s31+$0xF030];
	v19 =	vmul.f32 $6.250000000e-02, v19;
	v37 =	vadd.f32 v52, v51;
	v18 =	vadd.f32 v18, v21  }
0x1cd: {  	v61 =	vld [tilespmem:s31+$0x2040];
	v22 =	vadd.f32 v22, v53;
	v21 =	vadd.f32 v48, v47  }
0x1ce: {  	v62 =	vld [tilespmem:s31+$0x3040];
	v0 =	vadd.f32 v8, v0;
	[tilespmem:s31+$0x10000] =	vst v19;
	v19 =	vadd.f32 v39, v42  }
0x1cf: {  	v36 =	vld [tilespmem:s31+$0x5040];
	v20 =	vadd.f32 v20, v23;
	v24 =	vadd.f32 v58, v56;
	v18 =	vmul.f32 $6.250000000e-02, v18  }
0x1d0: {  	v46 =	vld [tilespmem:s31+$0x3050];
	v42 =	vadd.f32 v7, v4;
	v0 =	vadd.f32 v12, v0  }
0x1d1: {  	v51 =	vld [tilespmem:s31+$0x6050];
	v19 =	vadd.f32 v44, v19;
	[tilespmem:s31+$0x10010] =	vst v18;
	v18 =	vadd.f32 v40, v57  }
0x1d2: {  	v53 =	vld [tilespmem:s31+$0x7050];
	v20 =	vadd.f32 v20, v22;
	v3 =	vadd.f32 v10, v42  }
0x1d3: {  	v63 =	vld [tilespmem:s31+$0x4040];
	v22 =	vadd.f32 v62, v61;
	v18 =	vadd.f32 v45, v18  }
0x1d4: {  	v47 =	vld [tilespmem:s31+$0x4050];
	v40 =	vadd.f32 v24, v37;
	v0 =	vadd.f32 v14, v0  }
0x1d5: {  	v39 =	vld [tilespmem:s31+$0x7040];
	v4 =	vadd.f32 v46, v43;
	v18 =	vadd.f32 v50, v18  }
0x1d6: {  	v56 =	vld [tilespmem:s31+$0x2060];
	v19 =	vadd.f32 v49, v19;
	v52 =	vadd.f32 v2, v3  }
0x1d7: {  	v58 =	vld [tilespmem:s31+$0x4060];
	v2 =	vadd.f32 v53, v51;
	v44 =	vadd.f32 v55, v18  }
0x1d8: {  	v61 =	vld [tilespmem:s31+$0x7060];
	v20 =	vmul.f32 $6.250000000e-02, v20;
	v0 =	vadd.f32 v16, v0;
	v19 =	vadd.f32 v54, v19  }
0x1d9: {  	v49 =	vld [tilespmem:s31+$0x5050];
	v1 =	vadd.f32 v6, v52;
	v7 =	vadd.f32 v26, v44  }
0x1da: {  	v62 =	vld [tilespmem:s31+$0xF060];
	[tilespmem:s31+$0x10020] =	vst v20;
	v20 =	vadd.f32 v39, v38;
	v50 =	vadd.f32 v36, v63  }
0x1db: {  	v57 =	vld [tilespmem:s31+$0x3060];
	v1 =	vadd.f32 v9, v1;
	v7 =	vadd.f32 v41, v7  }
0x1dc: {  	v19 =	vadd.f32 v59, v19;
	v59 =	vld [tilespmem:s31+$0x5060];
	v54 =	vadd.f32 v20, v50  }
0x1dd: {  	v55 =	vld [tilespmem:s31+$0xF050];
	v1 =	vadd.f32 v13, v1;
	v7 =	vadd.f32 v7, v22  }
0x1de: {  	v11 =	vadd.f32 v49, v47;
	v19 =	vadd.f32 v60, v19;
	v60 =	vld [tilespmem:s31+$0x6060]  }
0x1df: {  	v1 =	vadd.f32 v15, v1;
	v3 =	vadd.f32 v7, v54  }
0x1e0: {  	v5 =	vadd.f32 v57, v56;
	v2 =	vadd.f32 v2, v11  }
0x1e1: {  	v19 =	vadd.f32 v19, v21;
	v1 =	vadd.f32 v17, v1;
	v3 =	vmul.f32 $6.250000000e-02, v3  }
0x1e2: {  	v63 =	vadd.f32 v59, v58;
	v0 =	vadd.f32 v55, v0  }
0x1e3: {  	v1 =	vadd.f32 v62, v1;
	[tilespmem:s31+$0x10040] =	vst v3;
	v3 =	vadd.f32 v61, v60  }
0x1e4: {  	v45 =	vadd.f32 v19, v40;
	v0 =	vadd.f32 v0, v4  }
0x1e5: {  	v1 =	vadd.f32 v1, v5;
	v3 =	vadd.f32 v3, v63  }
0x1e6: {  	v0 =	vadd.f32 v0, v2  }
0x1e7: {  	v48 =	vmul.f32 $6.250000000e-02, v45;
	v1 =	vadd.f32 v1, v3  }
0x1e8: {  	v0 =	vmul.f32 $6.250000000e-02, v0  }
0x1e9: {  	s28 =	sadd.s32 $0x1, s28;
	[tilespmem:s31+$0x10030] =	vst v48;
	v1 =	vmul.f32 $6.250000000e-02, v1  }
0x1ea: {  	p0 =	sne.s32 s28, s20;
	[tilespmem:s31+$0x10050] =	vst v0  }
.Ltmp1:
0x1eb: {  	[tilespmem:s31+$0x10060] =	vst v1;
	(pc) =	sbr.rel @p0 .LBB2_1-.Ltmp1, $4  }
0x1ec: {  	[hbm4b:s19+s2] =	stream.linear.scatter [tilespmem:s25], [sflag:$0x2], $0x1000, $0x38;
	[tilespmem:$0x11000] =	vst v63  }
0x1ed: {  	_ =	swait.ge [sflag:s26], $0x1000  }
0x1ee: {  	[sflag:s26] =	ssyncset.done $0x0  }
0x1ef: {  	[sflag:s26] =	ssyncadd.s32 $0xFFFFF000  }
0x1f0: {  	_ =	sfence.sel $0x180000  }
0x1f1: {  	[bflag:$0x0] =	sbarrier.arrive $0xFFFF  }
0x1f2: {  	_ =	strace $0x90000047  }
0x1f3: {  	s0 =	stileid.u32;
	[bflag:$0x2] =	sbarrier.arrive $0xFFFF  }
0x1f4: {  	p0 =	sne.s32 s0, $0x0;
	s0 =	rddreg [dreg:$0x2]  }
0x1f5: {  	s0 =	sadd.s32 @!p0 $0x100000, s0  }
0x1f6: {  	[sflag:s0] =	ssyncadd.tile.s32 @!p0 $0x1;
	_ =	shalt  }
.Lfunc_end2:
_tile_overlayer_lowered:
.L_overlay_start_2:
0x1f7: {  	(tag) =	ssettag $0x2  }
0x1f8: {  	s0 =	rddreg [dreg:$0x0];
	s2 =	stileid.u32  }
0x1f9: {  	s1 =	rddreg [dreg:$0x1];
	p0 =	sne.s32 s2, $0x0  }
0x1fa: {  	s3 =	rddreg [dreg:$0x2];
	[bflag:$0x3] =	sbarrier.arrive $0xFFFF;
	s2 =	simm.s32 @!p0 $0x1C02  }
0x1fb: {  	[timem:s3], [sflag:s2] =	dma.local @!p0 [hbm:s0], s1  }
0x1fc: {  	s0 =	simm.s32 @!p0 $0x2  }
0x1fd: {  	_ =	swait.ge @!p0 [sflag:s0], s1  }
0x1fe: {  	s1 =	ssub.s32 @!p0 $0x0, s1;
	[sflag:s0] =	ssyncset.done @!p0 $0x0  }
0x1ff: {  	[sflag:s0] =	ssyncadd.s32 @!p0 s1  }
0x200: {  	[bflag:$0x3] =	sbarrier.arrive $0xFFFF  }
0x201: {  	_ =	shalt  }

</sc_bundles>
